<compile_context>
chip_gen: v7x
topology: tpu7x:2x2x1
jax: 0.10.2.dev20260603
libtpu: 0.0.44.dev20260713+nightly
codegen_flags: <defaults>
</compile_context>

<pallas_src>
import functools

import jax
import jax.numpy as jnp
from jax import lax
from jax.experimental import pallas as pl
from jax.experimental.pallas import tpu as pltpu
from jax.experimental.pallas import tpu_sc as plsc

_VOCAB = 1000000
_EMB = 64
_BATCH = 4096
_SEQ = 200
_CLASSES = 5
_CPAD = 16
_PACK = 8
_VBLK = 32768

_NC = 2
_NS = 16
_NW = _NC * _NS
_ROWS_PER_W = _BATCH // _NW
_CHA = 96
_CHB = _SEQ - _CHA
_NBUF = 16

_mesh = plsc.VectorSubcoreMesh(core_axis_name="c", subcore_axis_name="s")


def _proj_body(tt_ref, wr_ref, m_ref, o_ref):
    xb = tt_ref[...].astype(jnp.bfloat16)
    y = lax.dot_general(xb, wr_ref[...], (((0,), (0,)), ((), ())),
                        preferred_element_type=jnp.float32)
    ym = (y.reshape(_VBLK // _PACK, _PACK, _PACK * _CPAD)
          * m_ref[...].reshape(1, _PACK, _PACK * _CPAD))
    o_ref[...] = ym.sum(axis=1)


@functools.partial(
    pl.kernel,
    mesh=_mesh,
    out_type=jax.ShapeDtypeStruct((_BATCH, _CPAD), jnp.float32),
    scratch_types=[
        pltpu.VMEM((_ROWS_PER_W, _SEQ), jnp.int32),
        pltpu.VMEM((_NBUF, _SEQ, _CPAD), jnp.float32),
        pltpu.VMEM((_ROWS_PER_W, _CPAD), jnp.float32),
        pltpu.VMEM((_CPAD,), jnp.float32),
        pltpu.SemaphoreType.DMA,
    ],
    compiler_params=pltpu.CompilerParams(use_tc_tiling_on_sc=False),
)
def _sc_pool(proj_hbm, idx_hbm, bias_hbm, out_hbm, idx_v, buf_v, pooled_v,
             bias_v, sem):
    wid = lax.axis_index("s") * _NC + lax.axis_index("c")
    row_base = wid * _ROWS_PER_W

    pltpu.sync_copy(bias_hbm, bias_v)
    pltpu.sync_copy(idx_hbm.at[pl.ds(row_base, _ROWS_PER_W)], idx_v)

    def copies(row, slot):
        return (
            pltpu.make_async_copy(
                proj_hbm.at[idx_v.at[row, pl.ds(0, _CHA)]],
                buf_v.at[slot, pl.ds(0, _CHA)], sem),
            pltpu.make_async_copy(
                proj_hbm.at[idx_v.at[row, pl.ds(_CHA, _CHB)]],
                buf_v.at[slot, pl.ds(_CHA, _CHB)], sem),
        )

    def issue(row, slot):
        for c in copies(row, slot):
            c.start()

    for r in range(_NBUF - 1):
        issue(r, r)

    def row_body(b, _):
        slot = lax.rem(b, _NBUF)

        @pl.when(b + (_NBUF - 1) < _ROWS_PER_W)
        def _():
            issue(b + (_NBUF - 1), lax.rem(b + (_NBUF - 1), _NBUF))

        for c in copies(b, slot):
            c.wait()

        def acc_body(s, acc):
            return acc + buf_v[slot, s, pl.ds(0, _CPAD)]

        acc = lax.fori_loop(0, _SEQ, acc_body, bias_v[pl.ds(0, _CPAD)],
                            unroll=8)
        pooled_v[b, pl.ds(0, _CPAD)] = acc
        return 0

    lax.fori_loop(0, _ROWS_PER_W, row_body, 0)
    pltpu.sync_copy(pooled_v, out_hbm.at[pl.ds(row_base, _ROWS_PER_W)])


def kernel(inputs, emb_table, W, b):
    wt = jnp.pad(W.astype(jnp.float32).T * (1.0 / _SEQ),
                 ((0, 0), (0, _CPAD - _CLASSES)))
    wr = jnp.tile(wt, (1, _PACK)).astype(jnp.bfloat16)
    lane = lax.broadcasted_iota(jnp.int32, (_PACK, _PACK * _CPAD), 1)
    row = lax.broadcasted_iota(jnp.int32, (_PACK, _PACK * _CPAD), 0)
    m8 = ((lane // _CPAD) == row).astype(jnp.float32)

    n_packed = _VOCAB // _PACK
    grid = _VOCAB // _VBLK + (1 if _VOCAB % _VBLK else 0)
    proj_packed = pl.pallas_call(
        _proj_body,
        grid=(grid,),
        in_specs=[
            pl.BlockSpec((_EMB, _VBLK), lambda g: (0, g)),
            pl.BlockSpec((_EMB, _PACK * _CPAD), lambda g: (0, 0)),
            pl.BlockSpec((_PACK, _PACK * _CPAD), lambda g: (0, 0)),
        ],
        out_specs=pl.BlockSpec((_VBLK // _PACK, _PACK * _CPAD),
                               lambda g: (g, 0)),
        out_shape=jax.ShapeDtypeStruct((n_packed, _PACK * _CPAD),
                                       jnp.float32),
    )(emb_table.T, wr, m8)

    proj = proj_packed.reshape(_VOCAB, _CPAD)
    bias_pad = jnp.pad(b.astype(jnp.float32), (0, _CPAD - _CLASSES))
    sums = _sc_pool(proj, inputs, bias_pad)
    return sums[:, :_CLASSES]

# --- scband reference (transcript-rebuilt; emitter-appended) ---
"""Pipeline reference for scband-fast-text-12429635354675 (READ-ONLY COPY).

The authoritative reference and input builder live on the scoring server;
editing this copy changes nothing except your own understanding.
"""

import jax, jax.numpy as jnp
import numpy as np

VOCAB = 1000000
EMB = 64
BATCH = 4096
SEQ = 200
NUM_CLASSES = 5

def setup_inputs(seed: int = 0) -> dict:
    key = jax.random.key(seed)
    k1, k2, k3, k4 = jax.random.split(key, 4)
    inputs = jax.random.randint(k1, (BATCH, SEQ), 0, VOCAB, dtype=jnp.int64 if jax.config.jax_enable_x64 else jnp.int32).astype(jnp.int32)
    emb_table = jax.random.normal(k2, (VOCAB, EMB), dtype=jnp.float32) * 0.02
    # nn.Linear(EMB, 5): weight [5, EMB], bias [5]
    bound = 1.0 / np.sqrt(EMB)
    W = jax.random.uniform(k3, (NUM_CLASSES, EMB), dtype=jnp.float32, minval=-bound, maxval=bound)
    b = jax.random.uniform(k4, (NUM_CLASSES,), dtype=jnp.float32, minval=-bound, maxval=bound)
    return {"inputs": inputs, "emb_table": emb_table, "W": W, "b": b}

def reference(inputs, emb_table, W, b):
    # embedding lookup (SparseCore gather)
    emb = jnp.take(emb_table, inputs, axis=0)          # [B, S, EMB]
    pooled = jnp.mean(emb, axis=1)                      # [B, EMB]
    out = pooled @ W.T + b                              # [B, 5]
    return out

if __name__ == "__main__":
    import jax
    _d = setup_inputs()
    print(jax.jit(kernel)(*tuple(_d.values())))

</pallas_src>

<mosaic_0001>
#map = affine_map<(d0, d1) -> (0, 0)>
#map1 = affine_map<(d0, d1) -> (0)>
module attributes {stable_mosaic.version = 14 : i64} {
  func.func @_sc_pool(%arg0: i32, %arg1: i32, %arg2: memref<1000000x16xf32, #tpu.memory_space<hbm>>, %arg3: memref<4096x200xi32, #tpu.memory_space<hbm>>, %arg4: memref<16xf32, #tpu.memory_space<hbm>>, %arg5: memref<4096x16xf32, #tpu.memory_space<hbm>>, %arg6: memref<128x200xi32, #tpu.memory_space<vmem>>, %arg7: memref<16x200x16xf32, #tpu.memory_space<vmem>>, %arg8: memref<128x16xf32, #tpu.memory_space<vmem>>, %arg9: memref<16xf32, #tpu.memory_space<vmem>>, %arg10: memref<!tpu.dma_semaphore, #tpu.memory_space<semaphore_mem>>) attributes {dimension_semantics = [#tpu.dimension_semantics<core_parallel>, #tpu.dimension_semantics<subcore_parallel>], iteration_bounds = array<i64: 2, 16>, scalar_prefetch = 0 : i64, scratch_operands = 5 : i64, tpu.core_type = #tpu.core_type<sc_vector_subcore>, window_params = [{transform_indices = #map}, {transform_indices = #map}, {transform_indices = #map1}, {transform_indices = #map}]} {
    %mul3A = arith.constant 2 : i32
    %mul3A_0 = arith.muli %arg1, %mul3A : i32
    %add3A = arith.addi %mul3A_0, %arg0 : i32
    %mul3A_1 = arith.constant 128 : i32
    %mul3A_2 = arith.muli %add3A, %mul3A_1 : i32
    "tpu.region"() ({
      %run_scoped3A = tpu.sem_alloc : memref<!tpu.dma_semaphore, #tpu.memory_space<semaphore_mem>>
      tpu.enqueue_dma source(%arg4 : memref<16xf32, #tpu.memory_space<hbm>>) target(%arg9 : memref<16xf32, #tpu.memory_space<vmem>>) target_semaphore(%run_scoped3A : memref<!tpu.dma_semaphore, #tpu.memory_space<semaphore_mem>>)
      tpu.wait_dma2 semaphore(%run_scoped3A : memref<!tpu.dma_semaphore, #tpu.memory_space<semaphore_mem>>) src(%arg4 : memref<16xf32, #tpu.memory_space<hbm>>) dst(%arg9 : memref<16xf32, #tpu.memory_space<vmem>>)
      tpu.yield
    }) : () -> ()
    "tpu.region"() ({
      %run_scoped3A = tpu.sem_alloc : memref<!tpu.dma_semaphore, #tpu.memory_space<semaphore_mem>>
      %dma_start3A_368 = arith.constant 0 : i32
      %dma_start3A_369 = tpu.memref_slice %arg3[%mul3A_2, %dma_start3A_368] : memref<4096x200xi32, #tpu.memory_space<hbm>> -> memref<128x200xi32, #tpu.memory_space<hbm>>
      %dma_start3A_370 = arith.constant 0 : i32
      %dma_start3A_371 = tpu.memref_slice %arg3[%mul3A_2, %dma_start3A_370] : memref<4096x200xi32, #tpu.memory_space<hbm>> -> memref<128x200xi32, #tpu.memory_space<hbm>>
      tpu.enqueue_dma source(%dma_start3A_371 : memref<128x200xi32, #tpu.memory_space<hbm>>) target(%arg6 : memref<128x200xi32, #tpu.memory_space<vmem>>) target_semaphore(%run_scoped3A : memref<!tpu.dma_semaphore, #tpu.memory_space<semaphore_mem>>)
      %dma_wait3A = arith.constant 0 : i32
      %dma_wait3A_372 = tpu.memref_slice %arg3[%mul3A_2, %dma_wait3A] : memref<4096x200xi32, #tpu.memory_space<hbm>> -> memref<128x200xi32, #tpu.memory_space<hbm>>
      %dma_wait3A_373 = arith.constant 0 : i32
      %dma_wait3A_374 = tpu.memref_slice %arg3[%mul3A_2, %dma_wait3A_373] : memref<4096x200xi32, #tpu.memory_space<hbm>> -> memref<128x200xi32, #tpu.memory_space<hbm>>
      tpu.wait_dma2 semaphore(%run_scoped3A : memref<!tpu.dma_semaphore, #tpu.memory_space<semaphore_mem>>) src(%dma_wait3A_374 : memref<128x200xi32, #tpu.memory_space<hbm>>) dst(%arg6 : memref<128x200xi32, #tpu.memory_space<vmem>>)
      tpu.yield
    }) : () -> ()
    %dma_start3A = arith.constant 0 : i32
    %dma_start3A_3 = arith.constant 0 : i32
    %dma_start3A_4 = arith.constant 0 : i32
    %dma_start3A_5 = arith.constant 0 : i32
    %dma_start3A_6 = tpu.memref_slice %arg7[%dma_start3A_3, %dma_start3A_4, %dma_start3A_5] : memref<16x200x16xf32, #tpu.memory_space<vmem>> -> memref<1x96x16xf32, #tpu.memory_space<vmem>>
    %dma_start3A_7 = tpu.memref_squeeze %dma_start3A_6 : memref<1x96x16xf32, #tpu.memory_space<vmem>> -> memref<96x16xf32, #tpu.memory_space<vmem>>
    %dma_start3A_8 = arith.constant 0 : i32
    %dma_start3A_9 = tpu.memref_slice %arg6[%dma_start3A, %dma_start3A_8] : memref<128x200xi32, #tpu.memory_space<vmem>> -> memref<1x96xi32, #tpu.memory_space<vmem>>
    %dma_start3A_10 = tpu.memref_squeeze %dma_start3A_9 : memref<1x96xi32, #tpu.memory_space<vmem>> -> memref<96xi32, #tpu.memory_space<vmem>>
    %dma_start3A_11 = arith.constant 0 : i32
    %dma_start3A_12 = arith.constant 0 : i32
    %dma_start3A_13 = tpu.memref_slice %arg2[%dma_start3A_11, %dma_start3A_12] : memref<1000000x16xf32, #tpu.memory_space<hbm>> -> memref<1000000x16xf32, #tpu.memory_space<hbm>>
    tpu.enqueue_indirect_dma source(%dma_start3A_13 : memref<1000000x16xf32, #tpu.memory_space<hbm>>) target(%dma_start3A_7 : memref<96x16xf32, #tpu.memory_space<vmem>>) offsets(%dma_start3A_10 : memref<96xi32, #tpu.memory_space<vmem>>) semaphore(%arg10 : memref<!tpu.dma_semaphore, #tpu.memory_space<semaphore_mem>>)
    %dma_start3A_14 = arith.constant 0 : i32
    %dma_start3A_15 = arith.constant 0 : i32
    %dma_start3A_16 = arith.constant 96 : i32
    %dma_start3A_17 = arith.constant 0 : i32
    %dma_start3A_18 = tpu.memref_slice %arg7[%dma_start3A_15, %dma_start3A_16, %dma_start3A_17] : memref<16x200x16xf32, #tpu.memory_space<vmem>> -> memref<1x104x16xf32, #tpu.memory_space<vmem>>
    %dma_start3A_19 = tpu.memref_squeeze %dma_start3A_18 : memref<1x104x16xf32, #tpu.memory_space<vmem>> -> memref<104x16xf32, #tpu.memory_space<vmem>>
    %dma_start3A_20 = arith.constant 96 : i32
    %dma_start3A_21 = tpu.memref_slice %arg6[%dma_start3A_14, %dma_start3A_20] : memref<128x200xi32, #tpu.memory_space<vmem>> -> memref<1x104xi32, #tpu.memory_space<vmem>>
    %dma_start3A_22 = tpu.memref_squeeze %dma_start3A_21 : memref<1x104xi32, #tpu.memory_space<vmem>> -> memref<104xi32, #tpu.memory_space<vmem>>
    %dma_start3A_23 = arith.constant 0 : i32
    %dma_start3A_24 = arith.constant 0 : i32
    %dma_start3A_25 = tpu.memref_slice %arg2[%dma_start3A_23, %dma_start3A_24] : memref<1000000x16xf32, #tpu.memory_space<hbm>> -> memref<1000000x16xf32, #tpu.memory_space<hbm>>
    tpu.enqueue_indirect_dma source(%dma_start3A_25 : memref<1000000x16xf32, #tpu.memory_space<hbm>>) target(%dma_start3A_19 : memref<104x16xf32, #tpu.memory_space<vmem>>) offsets(%dma_start3A_22 : memref<104xi32, #tpu.memory_space<vmem>>) semaphore(%arg10 : memref<!tpu.dma_semaphore, #tpu.memory_space<semaphore_mem>>)
    %dma_start3A_26 = arith.constant 1 : i32
    %dma_start3A_27 = arith.constant 1 : i32
    %dma_start3A_28 = arith.constant 0 : i32
    %dma_start3A_29 = arith.constant 0 : i32
    %dma_start3A_30 = tpu.memref_slice %arg7[%dma_start3A_27, %dma_start3A_28, %dma_start3A_29] : memref<16x200x16xf32, #tpu.memory_space<vmem>> -> memref<1x96x16xf32, #tpu.memory_space<vmem>>
    %dma_start3A_31 = tpu.memref_squeeze %dma_start3A_30 : memref<1x96x16xf32, #tpu.memory_space<vmem>> -> memref<96x16xf32, #tpu.memory_space<vmem>>
    %dma_start3A_32 = arith.constant 0 : i32
    %dma_start3A_33 = tpu.memref_slice %arg6[%dma_start3A_26, %dma_start3A_32] : memref<128x200xi32, #tpu.memory_space<vmem>> -> memref<1x96xi32, #tpu.memory_space<vmem>>
    %dma_start3A_34 = tpu.memref_squeeze %dma_start3A_33 : memref<1x96xi32, #tpu.memory_space<vmem>> -> memref<96xi32, #tpu.memory_space<vmem>>
    %dma_start3A_35 = arith.constant 0 : i32
    %dma_start3A_36 = arith.constant 0 : i32
    %dma_start3A_37 = tpu.memref_slice %arg2[%dma_start3A_35, %dma_start3A_36] : memref<1000000x16xf32, #tpu.memory_space<hbm>> -> memref<1000000x16xf32, #tpu.memory_space<hbm>>
    tpu.enqueue_indirect_dma source(%dma_start3A_37 : memref<1000000x16xf32, #tpu.memory_space<hbm>>) target(%dma_start3A_31 : memref<96x16xf32, #tpu.memory_space<vmem>>) offsets(%dma_start3A_34 : memref<96xi32, #tpu.memory_space<vmem>>) semaphore(%arg10 : memref<!tpu.dma_semaphore, #tpu.memory_space<semaphore_mem>>)
    %dma_start3A_38 = arith.constant 1 : i32
    %dma_start3A_39 = arith.constant 1 : i32
    %dma_start3A_40 = arith.constant 96 : i32
    %dma_start3A_41 = arith.constant 0 : i32
    %dma_start3A_42 = tpu.memref_slice %arg7[%dma_start3A_39, %dma_start3A_40, %dma_start3A_41] : memref<16x200x16xf32, #tpu.memory_space<vmem>> -> memref<1x104x16xf32, #tpu.memory_space<vmem>>
    %dma_start3A_43 = tpu.memref_squeeze %dma_start3A_42 : memref<1x104x16xf32, #tpu.memory_space<vmem>> -> memref<104x16xf32, #tpu.memory_space<vmem>>
    %dma_start3A_44 = arith.constant 96 : i32
    %dma_start3A_45 = tpu.memref_slice %arg6[%dma_start3A_38, %dma_start3A_44] : memref<128x200xi32, #tpu.memory_space<vmem>> -> memref<1x104xi32, #tpu.memory_space<vmem>>
    %dma_start3A_46 = tpu.memref_squeeze %dma_start3A_45 : memref<1x104xi32, #tpu.memory_space<vmem>> -> memref<104xi32, #tpu.memory_space<vmem>>
    %dma_start3A_47 = arith.constant 0 : i32
    %dma_start3A_48 = arith.constant 0 : i32
    %dma_start3A_49 = tpu.memref_slice %arg2[%dma_start3A_47, %dma_start3A_48] : memref<1000000x16xf32, #tpu.memory_space<hbm>> -> memref<1000000x16xf32, #tpu.memory_space<hbm>>
    tpu.enqueue_indirect_dma source(%dma_start3A_49 : memref<1000000x16xf32, #tpu.memory_space<hbm>>) target(%dma_start3A_43 : memref<104x16xf32, #tpu.memory_space<vmem>>) offsets(%dma_start3A_46 : memref<104xi32, #tpu.memory_space<vmem>>) semaphore(%arg10 : memref<!tpu.dma_semaphore, #tpu.memory_space<semaphore_mem>>)
    %dma_start3A_50 = arith.constant 2 : i32
    %dma_start3A_51 = arith.constant 2 : i32
    %dma_start3A_52 = arith.constant 0 : i32
    %dma_start3A_53 = arith.constant 0 : i32
    %dma_start3A_54 = tpu.memref_slice %arg7[%dma_start3A_51, %dma_start3A_52, %dma_start3A_53] : memref<16x200x16xf32, #tpu.memory_space<vmem>> -> memref<1x96x16xf32, #tpu.memory_space<vmem>>
    %dma_start3A_55 = tpu.memref_squeeze %dma_start3A_54 : memref<1x96x16xf32, #tpu.memory_space<vmem>> -> memref<96x16xf32, #tpu.memory_space<vmem>>
    %dma_start3A_56 = arith.constant 0 : i32
    %dma_start3A_57 = tpu.memref_slice %arg6[%dma_start3A_50, %dma_start3A_56] : memref<128x200xi32, #tpu.memory_space<vmem>> -> memref<1x96xi32, #tpu.memory_space<vmem>>
    %dma_start3A_58 = tpu.memref_squeeze %dma_start3A_57 : memref<1x96xi32, #tpu.memory_space<vmem>> -> memref<96xi32, #tpu.memory_space<vmem>>
    %dma_start3A_59 = arith.constant 0 : i32
    %dma_start3A_60 = arith.constant 0 : i32
    %dma_start3A_61 = tpu.memref_slice %arg2[%dma_start3A_59, %dma_start3A_60] : memref<1000000x16xf32, #tpu.memory_space<hbm>> -> memref<1000000x16xf32, #tpu.memory_space<hbm>>
    tpu.enqueue_indirect_dma source(%dma_start3A_61 : memref<1000000x16xf32, #tpu.memory_space<hbm>>) target(%dma_start3A_55 : memref<96x16xf32, #tpu.memory_space<vmem>>) offsets(%dma_start3A_58 : memref<96xi32, #tpu.memory_space<vmem>>) semaphore(%arg10 : memref<!tpu.dma_semaphore, #tpu.memory_space<semaphore_mem>>)
    %dma_start3A_62 = arith.constant 2 : i32
    %dma_start3A_63 = arith.constant 2 : i32
    %dma_start3A_64 = arith.constant 96 : i32
    %dma_start3A_65 = arith.constant 0 : i32
    %dma_start3A_66 = tpu.memref_slice %arg7[%dma_start3A_63, %dma_start3A_64, %dma_start3A_65] : memref<16x200x16xf32, #tpu.memory_space<vmem>> -> memref<1x104x16xf32, #tpu.memory_space<vmem>>
    %dma_start3A_67 = tpu.memref_squeeze %dma_start3A_66 : memref<1x104x16xf32, #tpu.memory_space<vmem>> -> memref<104x16xf32, #tpu.memory_space<vmem>>
    %dma_start3A_68 = arith.constant 96 : i32
    %dma_start3A_69 = tpu.memref_slice %arg6[%dma_start3A_62, %dma_start3A_68] : memref<128x200xi32, #tpu.memory_space<vmem>> -> memref<1x104xi32, #tpu.memory_space<vmem>>
    %dma_start3A_70 = tpu.memref_squeeze %dma_start3A_69 : memref<1x104xi32, #tpu.memory_space<vmem>> -> memref<104xi32, #tpu.memory_space<vmem>>
    %dma_start3A_71 = arith.constant 0 : i32
    %dma_start3A_72 = arith.constant 0 : i32
    %dma_start3A_73 = tpu.memref_slice %arg2[%dma_start3A_71, %dma_start3A_72] : memref<1000000x16xf32, #tpu.memory_space<hbm>> -> memref<1000000x16xf32, #tpu.memory_space<hbm>>
    tpu.enqueue_indirect_dma source(%dma_start3A_73 : memref<1000000x16xf32, #tpu.memory_space<hbm>>) target(%dma_start3A_67 : memref<104x16xf32, #tpu.memory_space<vmem>>) offsets(%dma_start3A_70 : memref<104xi32, #tpu.memory_space<vmem>>) semaphore(%arg10 : memref<!tpu.dma_semaphore, #tpu.memory_space<semaphore_mem>>)
    %dma_start3A_74 = arith.constant 3 : i32
    %dma_start3A_75 = arith.constant 3 : i32
    %dma_start3A_76 = arith.constant 0 : i32
    %dma_start3A_77 = arith.constant 0 : i32
    %dma_start3A_78 = tpu.memref_slice %arg7[%dma_start3A_75, %dma_start3A_76, %dma_start3A_77] : memref<16x200x16xf32, #tpu.memory_space<vmem>> -> memref<1x96x16xf32, #tpu.memory_space<vmem>>
    %dma_start3A_79 = tpu.memref_squeeze %dma_start3A_78 : memref<1x96x16xf32, #tpu.memory_space<vmem>> -> memref<96x16xf32, #tpu.memory_space<vmem>>
    %dma_start3A_80 = arith.constant 0 : i32
    %dma_start3A_81 = tpu.memref_slice %arg6[%dma_start3A_74, %dma_start3A_80] : memref<128x200xi32, #tpu.memory_space<vmem>> -> memref<1x96xi32, #tpu.memory_space<vmem>>
    %dma_start3A_82 = tpu.memref_squeeze %dma_start3A_81 : memref<1x96xi32, #tpu.memory_space<vmem>> -> memref<96xi32, #tpu.memory_space<vmem>>
    %dma_start3A_83 = arith.constant 0 : i32
    %dma_start3A_84 = arith.constant 0 : i32
    %dma_start3A_85 = tpu.memref_slice %arg2[%dma_start3A_83, %dma_start3A_84] : memref<1000000x16xf32, #tpu.memory_space<hbm>> -> memref<1000000x16xf32, #tpu.memory_space<hbm>>
    tpu.enqueue_indirect_dma source(%dma_start3A_85 : memref<1000000x16xf32, #tpu.memory_space<hbm>>) target(%dma_start3A_79 : memref<96x16xf32, #tpu.memory_space<vmem>>) offsets(%dma_start3A_82 : memref<96xi32, #tpu.memory_space<vmem>>) semaphore(%arg10 : memref<!tpu.dma_semaphore, #tpu.memory_space<semaphore_mem>>)
    %dma_start3A_86 = arith.constant 3 : i32
    %dma_start3A_87 = arith.constant 3 : i32
    %dma_start3A_88 = arith.constant 96 : i32
    %dma_start3A_89 = arith.constant 0 : i32
    %dma_start3A_90 = tpu.memref_slice %arg7[%dma_start3A_87, %dma_start3A_88, %dma_start3A_89] : memref<16x200x16xf32, #tpu.memory_space<vmem>> -> memref<1x104x16xf32, #tpu.memory_space<vmem>>
    %dma_start3A_91 = tpu.memref_squeeze %dma_start3A_90 : memref<1x104x16xf32, #tpu.memory_space<vmem>> -> memref<104x16xf32, #tpu.memory_space<vmem>>
    %dma_start3A_92 = arith.constant 96 : i32
    %dma_start3A_93 = tpu.memref_slice %arg6[%dma_start3A_86, %dma_start3A_92] : memref<128x200xi32, #tpu.memory_space<vmem>> -> memref<1x104xi32, #tpu.memory_space<vmem>>
    %dma_start3A_94 = tpu.memref_squeeze %dma_start3A_93 : memref<1x104xi32, #tpu.memory_space<vmem>> -> memref<104xi32, #tpu.memory_space<vmem>>
    %dma_start3A_95 = arith.constant 0 : i32
    %dma_start3A_96 = arith.constant 0 : i32
    %dma_start3A_97 = tpu.memref_slice %arg2[%dma_start3A_95, %dma_start3A_96] : memref<1000000x16xf32, #tpu.memory_space<hbm>> -> memref<1000000x16xf32, #tpu.memory_space<hbm>>
    tpu.enqueue_indirect_dma source(%dma_start3A_97 : memref<1000000x16xf32, #tpu.memory_space<hbm>>) target(%dma_start3A_91 : memref<104x16xf32, #tpu.memory_space<vmem>>) offsets(%dma_start3A_94 : memref<104xi32, #tpu.memory_space<vmem>>) semaphore(%arg10 : memref<!tpu.dma_semaphore, #tpu.memory_space<semaphore_mem>>)
    %dma_start3A_98 = arith.constant 4 : i32
    %dma_start3A_99 = arith.constant 4 : i32
    %dma_start3A_100 = arith.constant 0 : i32
    %dma_start3A_101 = arith.constant 0 : i32
    %dma_start3A_102 = tpu.memref_slice %arg7[%dma_start3A_99, %dma_start3A_100, %dma_start3A_101] : memref<16x200x16xf32, #tpu.memory_space<vmem>> -> memref<1x96x16xf32, #tpu.memory_space<vmem>>
    %dma_start3A_103 = tpu.memref_squeeze %dma_start3A_102 : memref<1x96x16xf32, #tpu.memory_space<vmem>> -> memref<96x16xf32, #tpu.memory_space<vmem>>
    %dma_start3A_104 = arith.constant 0 : i32
    %dma_start3A_105 = tpu.memref_slice %arg6[%dma_start3A_98, %dma_start3A_104] : memref<128x200xi32, #tpu.memory_space<vmem>> -> memref<1x96xi32, #tpu.memory_space<vmem>>
    %dma_start3A_106 = tpu.memref_squeeze %dma_start3A_105 : memref<1x96xi32, #tpu.memory_space<vmem>> -> memref<96xi32, #tpu.memory_space<vmem>>
    %dma_start3A_107 = arith.constant 0 : i32
    %dma_start3A_108 = arith.constant 0 : i32
    %dma_start3A_109 = tpu.memref_slice %arg2[%dma_start3A_107, %dma_start3A_108] : memref<1000000x16xf32, #tpu.memory_space<hbm>> -> memref<1000000x16xf32, #tpu.memory_space<hbm>>
    tpu.enqueue_indirect_dma source(%dma_start3A_109 : memref<1000000x16xf32, #tpu.memory_space<hbm>>) target(%dma_start3A_103 : memref<96x16xf32, #tpu.memory_space<vmem>>) offsets(%dma_start3A_106 : memref<96xi32, #tpu.memory_space<vmem>>) semaphore(%arg10 : memref<!tpu.dma_semaphore, #tpu.memory_space<semaphore_mem>>)
    %dma_start3A_110 = arith.constant 4 : i32
    %dma_start3A_111 = arith.constant 4 : i32
    %dma_start3A_112 = arith.constant 96 : i32
    %dma_start3A_113 = arith.constant 0 : i32
    %dma_start3A_114 = tpu.memref_slice %arg7[%dma_start3A_111, %dma_start3A_112, %dma_start3A_113] : memref<16x200x16xf32, #tpu.memory_space<vmem>> -> memref<1x104x16xf32, #tpu.memory_space<vmem>>
    %dma_start3A_115 = tpu.memref_squeeze %dma_start3A_114 : memref<1x104x16xf32, #tpu.memory_space<vmem>> -> memref<104x16xf32, #tpu.memory_space<vmem>>
    %dma_start3A_116 = arith.constant 96 : i32
    %dma_start3A_117 = tpu.memref_slice %arg6[%dma_start3A_110, %dma_start3A_116] : memref<128x200xi32, #tpu.memory_space<vmem>> -> memref<1x104xi32, #tpu.memory_space<vmem>>
    %dma_start3A_118 = tpu.memref_squeeze %dma_start3A_117 : memref<1x104xi32, #tpu.memory_space<vmem>> -> memref<104xi32, #tpu.memory_space<vmem>>
    %dma_start3A_119 = arith.constant 0 : i32
    %dma_start3A_120 = arith.constant 0 : i32
    %dma_start3A_121 = tpu.memref_slice %arg2[%dma_start3A_119, %dma_start3A_120] : memref<1000000x16xf32, #tpu.memory_space<hbm>> -> memref<1000000x16xf32, #tpu.memory_space<hbm>>
    tpu.enqueue_indirect_dma source(%dma_start3A_121 : memref<1000000x16xf32, #tpu.memory_space<hbm>>) target(%dma_start3A_115 : memref<104x16xf32, #tpu.memory_space<vmem>>) offsets(%dma_start3A_118 : memref<104xi32, #tpu.memory_space<vmem>>) semaphore(%arg10 : memref<!tpu.dma_semaphore, #tpu.memory_space<semaphore_mem>>)
    %dma_start3A_122 = arith.constant 5 : i32
    %dma_start3A_123 = arith.constant 5 : i32
    %dma_start3A_124 = arith.constant 0 : i32
    %dma_start3A_125 = arith.constant 0 : i32
    %dma_start3A_126 = tpu.memref_slice %arg7[%dma_start3A_123, %dma_start3A_124, %dma_start3A_125] : memref<16x200x16xf32, #tpu.memory_space<vmem>> -> memref<1x96x16xf32, #tpu.memory_space<vmem>>
    %dma_start3A_127 = tpu.memref_squeeze %dma_start3A_126 : memref<1x96x16xf32, #tpu.memory_space<vmem>> -> memref<96x16xf32, #tpu.memory_space<vmem>>
    %dma_start3A_128 = arith.constant 0 : i32
    %dma_start3A_129 = tpu.memref_slice %arg6[%dma_start3A_122, %dma_start3A_128] : memref<128x200xi32, #tpu.memory_space<vmem>> -> memref<1x96xi32, #tpu.memory_space<vmem>>
    %dma_start3A_130 = tpu.memref_squeeze %dma_start3A_129 : memref<1x96xi32, #tpu.memory_space<vmem>> -> memref<96xi32, #tpu.memory_space<vmem>>
    %dma_start3A_131 = arith.constant 0 : i32
    %dma_start3A_132 = arith.constant 0 : i32
    %dma_start3A_133 = tpu.memref_slice %arg2[%dma_start3A_131, %dma_start3A_132] : memref<1000000x16xf32, #tpu.memory_space<hbm>> -> memref<1000000x16xf32, #tpu.memory_space<hbm>>
    tpu.enqueue_indirect_dma source(%dma_start3A_133 : memref<1000000x16xf32, #tpu.memory_space<hbm>>) target(%dma_start3A_127 : memref<96x16xf32, #tpu.memory_space<vmem>>) offsets(%dma_start3A_130 : memref<96xi32, #tpu.memory_space<vmem>>) semaphore(%arg10 : memref<!tpu.dma_semaphore, #tpu.memory_space<semaphore_mem>>)
    %dma_start3A_134 = arith.constant 5 : i32
    %dma_start3A_135 = arith.constant 5 : i32
    %dma_start3A_136 = arith.constant 96 : i32
    %dma_start3A_137 = arith.constant 0 : i32
    %dma_start3A_138 = tpu.memref_slice %arg7[%dma_start3A_135, %dma_start3A_136, %dma_start3A_137] : memref<16x200x16xf32, #tpu.memory_space<vmem>> -> memref<1x104x16xf32, #tpu.memory_space<vmem>>
    %dma_start3A_139 = tpu.memref_squeeze %dma_start3A_138 : memref<1x104x16xf32, #tpu.memory_space<vmem>> -> memref<104x16xf32, #tpu.memory_space<vmem>>
    %dma_start3A_140 = arith.constant 96 : i32
    %dma_start3A_141 = tpu.memref_slice %arg6[%dma_start3A_134, %dma_start3A_140] : memref<128x200xi32, #tpu.memory_space<vmem>> -> memref<1x104xi32, #tpu.memory_space<vmem>>
    %dma_start3A_142 = tpu.memref_squeeze %dma_start3A_141 : memref<1x104xi32, #tpu.memory_space<vmem>> -> memref<104xi32, #tpu.memory_space<vmem>>
    %dma_start3A_143 = arith.constant 0 : i32
    %dma_start3A_144 = arith.constant 0 : i32
    %dma_start3A_145 = tpu.memref_slice %arg2[%dma_start3A_143, %dma_start3A_144] : memref<1000000x16xf32, #tpu.memory_space<hbm>> -> memref<1000000x16xf32, #tpu.memory_space<hbm>>
    tpu.enqueue_indirect_dma source(%dma_start3A_145 : memref<1000000x16xf32, #tpu.memory_space<hbm>>) target(%dma_start3A_139 : memref<104x16xf32, #tpu.memory_space<vmem>>) offsets(%dma_start3A_142 : memref<104xi32, #tpu.memory_space<vmem>>) semaphore(%arg10 : memref<!tpu.dma_semaphore, #tpu.memory_space<semaphore_mem>>)
    %dma_start3A_146 = arith.constant 6 : i32
    %dma_start3A_147 = arith.constant 6 : i32
    %dma_start3A_148 = arith.constant 0 : i32
    %dma_start3A_149 = arith.constant 0 : i32
    %dma_start3A_150 = tpu.memref_slice %arg7[%dma_start3A_147, %dma_start3A_148, %dma_start3A_149] : memref<16x200x16xf32, #tpu.memory_space<vmem>> -> memref<1x96x16xf32, #tpu.memory_space<vmem>>
    %dma_start3A_151 = tpu.memref_squeeze %dma_start3A_150 : memref<1x96x16xf32, #tpu.memory_space<vmem>> -> memref<96x16xf32, #tpu.memory_space<vmem>>
    %dma_start3A_152 = arith.constant 0 : i32
    %dma_start3A_153 = tpu.memref_slice %arg6[%dma_start3A_146, %dma_start3A_152] : memref<128x200xi32, #tpu.memory_space<vmem>> -> memref<1x96xi32, #tpu.memory_space<vmem>>
    %dma_start3A_154 = tpu.memref_squeeze %dma_start3A_153 : memref<1x96xi32, #tpu.memory_space<vmem>> -> memref<96xi32, #tpu.memory_space<vmem>>
    %dma_start3A_155 = arith.constant 0 : i32
    %dma_start3A_156 = arith.constant 0 : i32
    %dma_start3A_157 = tpu.memref_slice %arg2[%dma_start3A_155, %dma_start3A_156] : memref<1000000x16xf32, #tpu.memory_space<hbm>> -> memref<1000000x16xf32, #tpu.memory_space<hbm>>
    tpu.enqueue_indirect_dma source(%dma_start3A_157 : memref<1000000x16xf32, #tpu.memory_space<hbm>>) target(%dma_start3A_151 : memref<96x16xf32, #tpu.memory_space<vmem>>) offsets(%dma_start3A_154 : memref<96xi32, #tpu.memory_space<vmem>>) semaphore(%arg10 : memref<!tpu.dma_semaphore, #tpu.memory_space<semaphore_mem>>)
    %dma_start3A_158 = arith.constant 6 : i32
    %dma_start3A_159 = arith.constant 6 : i32
    %dma_start3A_160 = arith.constant 96 : i32
    %dma_start3A_161 = arith.constant 0 : i32
    %dma_start3A_162 = tpu.memref_slice %arg7[%dma_start3A_159, %dma_start3A_160, %dma_start3A_161] : memref<16x200x16xf32, #tpu.memory_space<vmem>> -> memref<1x104x16xf32, #tpu.memory_space<vmem>>
    %dma_start3A_163 = tpu.memref_squeeze %dma_start3A_162 : memref<1x104x16xf32, #tpu.memory_space<vmem>> -> memref<104x16xf32, #tpu.memory_space<vmem>>
    %dma_start3A_164 = arith.constant 96 : i32
    %dma_start3A_165 = tpu.memref_slice %arg6[%dma_start3A_158, %dma_start3A_164] : memref<128x200xi32, #tpu.memory_space<vmem>> -> memref<1x104xi32, #tpu.memory_space<vmem>>
    %dma_start3A_166 = tpu.memref_squeeze %dma_start3A_165 : memref<1x104xi32, #tpu.memory_space<vmem>> -> memref<104xi32, #tpu.memory_space<vmem>>
    %dma_start3A_167 = arith.constant 0 : i32
    %dma_start3A_168 = arith.constant 0 : i32
    %dma_start3A_169 = tpu.memref_slice %arg2[%dma_start3A_167, %dma_start3A_168] : memref<1000000x16xf32, #tpu.memory_space<hbm>> -> memref<1000000x16xf32, #tpu.memory_space<hbm>>
    tpu.enqueue_indirect_dma source(%dma_start3A_169 : memref<1000000x16xf32, #tpu.memory_space<hbm>>) target(%dma_start3A_163 : memref<104x16xf32, #tpu.memory_space<vmem>>) offsets(%dma_start3A_166 : memref<104xi32, #tpu.memory_space<vmem>>) semaphore(%arg10 : memref<!tpu.dma_semaphore, #tpu.memory_space<semaphore_mem>>)
    %dma_start3A_170 = arith.constant 7 : i32
    %dma_start3A_171 = arith.constant 7 : i32
    %dma_start3A_172 = arith.constant 0 : i32
    %dma_start3A_173 = arith.constant 0 : i32
    %dma_start3A_174 = tpu.memref_slice %arg7[%dma_start3A_171, %dma_start3A_172, %dma_start3A_173] : memref<16x200x16xf32, #tpu.memory_space<vmem>> -> memref<1x96x16xf32, #tpu.memory_space<vmem>>
    %dma_start3A_175 = tpu.memref_squeeze %dma_start3A_174 : memref<1x96x16xf32, #tpu.memory_space<vmem>> -> memref<96x16xf32, #tpu.memory_space<vmem>>
    %dma_start3A_176 = arith.constant 0 : i32
    %dma_start3A_177 = tpu.memref_slice %arg6[%dma_start3A_170, %dma_start3A_176] : memref<128x200xi32, #tpu.memory_space<vmem>> -> memref<1x96xi32, #tpu.memory_space<vmem>>
    %dma_start3A_178 = tpu.memref_squeeze %dma_start3A_177 : memref<1x96xi32, #tpu.memory_space<vmem>> -> memref<96xi32, #tpu.memory_space<vmem>>
    %dma_start3A_179 = arith.constant 0 : i32
    %dma_start3A_180 = arith.constant 0 : i32
    %dma_start3A_181 = tpu.memref_slice %arg2[%dma_start3A_179, %dma_start3A_180] : memref<1000000x16xf32, #tpu.memory_space<hbm>> -> memref<1000000x16xf32, #tpu.memory_space<hbm>>
    tpu.enqueue_indirect_dma source(%dma_start3A_181 : memref<1000000x16xf32, #tpu.memory_space<hbm>>) target(%dma_start3A_175 : memref<96x16xf32, #tpu.memory_space<vmem>>) offsets(%dma_start3A_178 : memref<96xi32, #tpu.memory_space<vmem>>) semaphore(%arg10 : memref<!tpu.dma_semaphore, #tpu.memory_space<semaphore_mem>>)
    %dma_start3A_182 = arith.constant 7 : i32
    %dma_start3A_183 = arith.constant 7 : i32
    %dma_start3A_184 = arith.constant 96 : i32
    %dma_start3A_185 = arith.constant 0 : i32
    %dma_start3A_186 = tpu.memref_slice %arg7[%dma_start3A_183, %dma_start3A_184, %dma_start3A_185] : memref<16x200x16xf32, #tpu.memory_space<vmem>> -> memref<1x104x16xf32, #tpu.memory_space<vmem>>
    %dma_start3A_187 = tpu.memref_squeeze %dma_start3A_186 : memref<1x104x16xf32, #tpu.memory_space<vmem>> -> memref<104x16xf32, #tpu.memory_space<vmem>>
    %dma_start3A_188 = arith.constant 96 : i32
    %dma_start3A_189 = tpu.memref_slice %arg6[%dma_start3A_182, %dma_start3A_188] : memref<128x200xi32, #tpu.memory_space<vmem>> -> memref<1x104xi32, #tpu.memory_space<vmem>>
    %dma_start3A_190 = tpu.memref_squeeze %dma_start3A_189 : memref<1x104xi32, #tpu.memory_space<vmem>> -> memref<104xi32, #tpu.memory_space<vmem>>
    %dma_start3A_191 = arith.constant 0 : i32
    %dma_start3A_192 = arith.constant 0 : i32
    %dma_start3A_193 = tpu.memref_slice %arg2[%dma_start3A_191, %dma_start3A_192] : memref<1000000x16xf32, #tpu.memory_space<hbm>> -> memref<1000000x16xf32, #tpu.memory_space<hbm>>
    tpu.enqueue_indirect_dma source(%dma_start3A_193 : memref<1000000x16xf32, #tpu.memory_space<hbm>>) target(%dma_start3A_187 : memref<104x16xf32, #tpu.memory_space<vmem>>) offsets(%dma_start3A_190 : memref<104xi32, #tpu.memory_space<vmem>>) semaphore(%arg10 : memref<!tpu.dma_semaphore, #tpu.memory_space<semaphore_mem>>)
    %dma_start3A_194 = arith.constant 8 : i32
    %dma_start3A_195 = arith.constant 8 : i32
    %dma_start3A_196 = arith.constant 0 : i32
    %dma_start3A_197 = arith.constant 0 : i32
    %dma_start3A_198 = tpu.memref_slice %arg7[%dma_start3A_195, %dma_start3A_196, %dma_start3A_197] : memref<16x200x16xf32, #tpu.memory_space<vmem>> -> memref<1x96x16xf32, #tpu.memory_space<vmem>>
    %dma_start3A_199 = tpu.memref_squeeze %dma_start3A_198 : memref<1x96x16xf32, #tpu.memory_space<vmem>> -> memref<96x16xf32, #tpu.memory_space<vmem>>
    %dma_start3A_200 = arith.constant 0 : i32
    %dma_start3A_201 = tpu.memref_slice %arg6[%dma_start3A_194, %dma_start3A_200] : memref<128x200xi32, #tpu.memory_space<vmem>> -> memref<1x96xi32, #tpu.memory_space<vmem>>
    %dma_start3A_202 = tpu.memref_squeeze %dma_start3A_201 : memref<1x96xi32, #tpu.memory_space<vmem>> -> memref<96xi32, #tpu.memory_space<vmem>>
    %dma_start3A_203 = arith.constant 0 : i32
    %dma_start3A_204 = arith.constant 0 : i32
    %dma_start3A_205 = tpu.memref_slice %arg2[%dma_start3A_203, %dma_start3A_204] : memref<1000000x16xf32, #tpu.memory_space<hbm>> -> memref<1000000x16xf32, #tpu.memory_space<hbm>>
    tpu.enqueue_indirect_dma source(%dma_start3A_205 : memref<1000000x16xf32, #tpu.memory_space<hbm>>) target(%dma_start3A_199 : memref<96x16xf32, #tpu.memory_space<vmem>>) offsets(%dma_start3A_202 : memref<96xi32, #tpu.memory_space<vmem>>) semaphore(%arg10 : memref<!tpu.dma_semaphore, #tpu.memory_space<semaphore_mem>>)
    %dma_start3A_206 = arith.constant 8 : i32
    %dma_start3A_207 = arith.constant 8 : i32
    %dma_start3A_208 = arith.constant 96 : i32
    %dma_start3A_209 = arith.constant 0 : i32
    %dma_start3A_210 = tpu.memref_slice %arg7[%dma_start3A_207, %dma_start3A_208, %dma_start3A_209] : memref<16x200x16xf32, #tpu.memory_space<vmem>> -> memref<1x104x16xf32, #tpu.memory_space<vmem>>
    %dma_start3A_211 = tpu.memref_squeeze %dma_start3A_210 : memref<1x104x16xf32, #tpu.memory_space<vmem>> -> memref<104x16xf32, #tpu.memory_space<vmem>>
    %dma_start3A_212 = arith.constant 96 : i32
    %dma_start3A_213 = tpu.memref_slice %arg6[%dma_start3A_206, %dma_start3A_212] : memref<128x200xi32, #tpu.memory_space<vmem>> -> memref<1x104xi32, #tpu.memory_space<vmem>>
    %dma_start3A_214 = tpu.memref_squeeze %dma_start3A_213 : memref<1x104xi32, #tpu.memory_space<vmem>> -> memref<104xi32, #tpu.memory_space<vmem>>
    %dma_start3A_215 = arith.constant 0 : i32
    %dma_start3A_216 = arith.constant 0 : i32
    %dma_start3A_217 = tpu.memref_slice %arg2[%dma_start3A_215, %dma_start3A_216] : memref<1000000x16xf32, #tpu.memory_space<hbm>> -> memref<1000000x16xf32, #tpu.memory_space<hbm>>
    tpu.enqueue_indirect_dma source(%dma_start3A_217 : memref<1000000x16xf32, #tpu.memory_space<hbm>>) target(%dma_start3A_211 : memref<104x16xf32, #tpu.memory_space<vmem>>) offsets(%dma_start3A_214 : memref<104xi32, #tpu.memory_space<vmem>>) semaphore(%arg10 : memref<!tpu.dma_semaphore, #tpu.memory_space<semaphore_mem>>)
    %dma_start3A_218 = arith.constant 9 : i32
    %dma_start3A_219 = arith.constant 9 : i32
    %dma_start3A_220 = arith.constant 0 : i32
    %dma_start3A_221 = arith.constant 0 : i32
    %dma_start3A_222 = tpu.memref_slice %arg7[%dma_start3A_219, %dma_start3A_220, %dma_start3A_221] : memref<16x200x16xf32, #tpu.memory_space<vmem>> -> memref<1x96x16xf32, #tpu.memory_space<vmem>>
    %dma_start3A_223 = tpu.memref_squeeze %dma_start3A_222 : memref<1x96x16xf32, #tpu.memory_space<vmem>> -> memref<96x16xf32, #tpu.memory_space<vmem>>
    %dma_start3A_224 = arith.constant 0 : i32
    %dma_start3A_225 = tpu.memref_slice %arg6[%dma_start3A_218, %dma_start3A_224] : memref<128x200xi32, #tpu.memory_space<vmem>> -> memref<1x96xi32, #tpu.memory_space<vmem>>
    %dma_start3A_226 = tpu.memref_squeeze %dma_start3A_225 : memref<1x96xi32, #tpu.memory_space<vmem>> -> memref<96xi32, #tpu.memory_space<vmem>>
    %dma_start3A_227 = arith.constant 0 : i32
    %dma_start3A_228 = arith.constant 0 : i32
    %dma_start3A_229 = tpu.memref_slice %arg2[%dma_start3A_227, %dma_start3A_228] : memref<1000000x16xf32, #tpu.memory_space<hbm>> -> memref<1000000x16xf32, #tpu.memory_space<hbm>>
    tpu.enqueue_indirect_dma source(%dma_start3A_229 : memref<1000000x16xf32, #tpu.memory_space<hbm>>) target(%dma_start3A_223 : memref<96x16xf32, #tpu.memory_space<vmem>>) offsets(%dma_start3A_226 : memref<96xi32, #tpu.memory_space<vmem>>) semaphore(%arg10 : memref<!tpu.dma_semaphore, #tpu.memory_space<semaphore_mem>>)
    %dma_start3A_230 = arith.constant 9 : i32
    %dma_start3A_231 = arith.constant 9 : i32
    %dma_start3A_232 = arith.constant 96 : i32
    %dma_start3A_233 = arith.constant 0 : i32
    %dma_start3A_234 = tpu.memref_slice %arg7[%dma_start3A_231, %dma_start3A_232, %dma_start3A_233] : memref<16x200x16xf32, #tpu.memory_space<vmem>> -> memref<1x104x16xf32, #tpu.memory_space<vmem>>
    %dma_start3A_235 = tpu.memref_squeeze %dma_start3A_234 : memref<1x104x16xf32, #tpu.memory_space<vmem>> -> memref<104x16xf32, #tpu.memory_space<vmem>>
    %dma_start3A_236 = arith.constant 96 : i32
    %dma_start3A_237 = tpu.memref_slice %arg6[%dma_start3A_230, %dma_start3A_236] : memref<128x200xi32, #tpu.memory_space<vmem>> -> memref<1x104xi32, #tpu.memory_space<vmem>>
    %dma_start3A_238 = tpu.memref_squeeze %dma_start3A_237 : memref<1x104xi32, #tpu.memory_space<vmem>> -> memref<104xi32, #tpu.memory_space<vmem>>
    %dma_start3A_239 = arith.constant 0 : i32
    %dma_start3A_240 = arith.constant 0 : i32
    %dma_start3A_241 = tpu.memref_slice %arg2[%dma_start3A_239, %dma_start3A_240] : memref<1000000x16xf32, #tpu.memory_space<hbm>> -> memref<1000000x16xf32, #tpu.memory_space<hbm>>
    tpu.enqueue_indirect_dma source(%dma_start3A_241 : memref<1000000x16xf32, #tpu.memory_space<hbm>>) target(%dma_start3A_235 : memref<104x16xf32, #tpu.memory_space<vmem>>) offsets(%dma_start3A_238 : memref<104xi32, #tpu.memory_space<vmem>>) semaphore(%arg10 : memref<!tpu.dma_semaphore, #tpu.memory_space<semaphore_mem>>)
    %dma_start3A_242 = arith.constant 10 : i32
    %dma_start3A_243 = arith.constant 10 : i32
    %dma_start3A_244 = arith.constant 0 : i32
    %dma_start3A_245 = arith.constant 0 : i32
    %dma_start3A_246 = tpu.memref_slice %arg7[%dma_start3A_243, %dma_start3A_244, %dma_start3A_245] : memref<16x200x16xf32, #tpu.memory_space<vmem>> -> memref<1x96x16xf32, #tpu.memory_space<vmem>>
    %dma_start3A_247 = tpu.memref_squeeze %dma_start3A_246 : memref<1x96x16xf32, #tpu.memory_space<vmem>> -> memref<96x16xf32, #tpu.memory_space<vmem>>
    %dma_start3A_248 = arith.constant 0 : i32
    %dma_start3A_249 = tpu.memref_slice %arg6[%dma_start3A_242, %dma_start3A_248] : memref<128x200xi32, #tpu.memory_space<vmem>> -> memref<1x96xi32, #tpu.memory_space<vmem>>
    %dma_start3A_250 = tpu.memref_squeeze %dma_start3A_249 : memref<1x96xi32, #tpu.memory_space<vmem>> -> memref<96xi32, #tpu.memory_space<vmem>>
    %dma_start3A_251 = arith.constant 0 : i32
    %dma_start3A_252 = arith.constant 0 : i32
    %dma_start3A_253 = tpu.memref_slice %arg2[%dma_start3A_251, %dma_start3A_252] : memref<1000000x16xf32, #tpu.memory_space<hbm>> -> memref<1000000x16xf32, #tpu.memory_space<hbm>>
    tpu.enqueue_indirect_dma source(%dma_start3A_253 : memref<1000000x16xf32, #tpu.memory_space<hbm>>) target(%dma_start3A_247 : memref<96x16xf32, #tpu.memory_space<vmem>>) offsets(%dma_start3A_250 : memref<96xi32, #tpu.memory_space<vmem>>) semaphore(%arg10 : memref<!tpu.dma_semaphore, #tpu.memory_space<semaphore_mem>>)
    %dma_start3A_254 = arith.constant 10 : i32
    %dma_start3A_255 = arith.constant 10 : i32
    %dma_start3A_256 = arith.constant 96 : i32
    %dma_start3A_257 = arith.constant 0 : i32
    %dma_start3A_258 = tpu.memref_slice %arg7[%dma_start3A_255, %dma_start3A_256, %dma_start3A_257] : memref<16x200x16xf32, #tpu.memory_space<vmem>> -> memref<1x104x16xf32, #tpu.memory_space<vmem>>
    %dma_start3A_259 = tpu.memref_squeeze %dma_start3A_258 : memref<1x104x16xf32, #tpu.memory_space<vmem>> -> memref<104x16xf32, #tpu.memory_space<vmem>>
    %dma_start3A_260 = arith.constant 96 : i32
    %dma_start3A_261 = tpu.memref_slice %arg6[%dma_start3A_254, %dma_start3A_260] : memref<128x200xi32, #tpu.memory_space<vmem>> -> memref<1x104xi32, #tpu.memory_space<vmem>>
    %dma_start3A_262 = tpu.memref_squeeze %dma_start3A_261 : memref<1x104xi32, #tpu.memory_space<vmem>> -> memref<104xi32, #tpu.memory_space<vmem>>
    %dma_start3A_263 = arith.constant 0 : i32
    %dma_start3A_264 = arith.constant 0 : i32
    %dma_start3A_265 = tpu.memref_slice %arg2[%dma_start3A_263, %dma_start3A_264] : memref<1000000x16xf32, #tpu.memory_space<hbm>> -> memref<1000000x16xf32, #tpu.memory_space<hbm>>
    tpu.enqueue_indirect_dma source(%dma_start3A_265 : memref<1000000x16xf32, #tpu.memory_space<hbm>>) target(%dma_start3A_259 : memref<104x16xf32, #tpu.memory_space<vmem>>) offsets(%dma_start3A_262 : memref<104xi32, #tpu.memory_space<vmem>>) semaphore(%arg10 : memref<!tpu.dma_semaphore, #tpu.memory_space<semaphore_mem>>)
    %dma_start3A_266 = arith.constant 11 : i32
    %dma_start3A_267 = arith.constant 11 : i32
    %dma_start3A_268 = arith.constant 0 : i32
    %dma_start3A_269 = arith.constant 0 : i32
    %dma_start3A_270 = tpu.memref_slice %arg7[%dma_start3A_267, %dma_start3A_268, %dma_start3A_269] : memref<16x200x16xf32, #tpu.memory_space<vmem>> -> memref<1x96x16xf32, #tpu.memory_space<vmem>>
    %dma_start3A_271 = tpu.memref_squeeze %dma_start3A_270 : memref<1x96x16xf32, #tpu.memory_space<vmem>> -> memref<96x16xf32, #tpu.memory_space<vmem>>
    %dma_start3A_272 = arith.constant 0 : i32
    %dma_start3A_273 = tpu.memref_slice %arg6[%dma_start3A_266, %dma_start3A_272] : memref<128x200xi32, #tpu.memory_space<vmem>> -> memref<1x96xi32, #tpu.memory_space<vmem>>
    %dma_start3A_274 = tpu.memref_squeeze %dma_start3A_273 : memref<1x96xi32, #tpu.memory_space<vmem>> -> memref<96xi32, #tpu.memory_space<vmem>>
    %dma_start3A_275 = arith.constant 0 : i32
    %dma_start3A_276 = arith.constant 0 : i32
    %dma_start3A_277 = tpu.memref_slice %arg2[%dma_start3A_275, %dma_start3A_276] : memref<1000000x16xf32, #tpu.memory_space<hbm>> -> memref<1000000x16xf32, #tpu.memory_space<hbm>>
    tpu.enqueue_indirect_dma source(%dma_start3A_277 : memref<1000000x16xf32, #tpu.memory_space<hbm>>) target(%dma_start3A_271 : memref<96x16xf32, #tpu.memory_space<vmem>>) offsets(%dma_start3A_274 : memref<96xi32, #tpu.memory_space<vmem>>) semaphore(%arg10 : memref<!tpu.dma_semaphore, #tpu.memory_space<semaphore_mem>>)
    %dma_start3A_278 = arith.constant 11 : i32
    %dma_start3A_279 = arith.constant 11 : i32
    %dma_start3A_280 = arith.constant 96 : i32
    %dma_start3A_281 = arith.constant 0 : i32
    %dma_start3A_282 = tpu.memref_slice %arg7[%dma_start3A_279, %dma_start3A_280, %dma_start3A_281] : memref<16x200x16xf32, #tpu.memory_space<vmem>> -> memref<1x104x16xf32, #tpu.memory_space<vmem>>
    %dma_start3A_283 = tpu.memref_squeeze %dma_start3A_282 : memref<1x104x16xf32, #tpu.memory_space<vmem>> -> memref<104x16xf32, #tpu.memory_space<vmem>>
    %dma_start3A_284 = arith.constant 96 : i32
    %dma_start3A_285 = tpu.memref_slice %arg6[%dma_start3A_278, %dma_start3A_284] : memref<128x200xi32, #tpu.memory_space<vmem>> -> memref<1x104xi32, #tpu.memory_space<vmem>>
    %dma_start3A_286 = tpu.memref_squeeze %dma_start3A_285 : memref<1x104xi32, #tpu.memory_space<vmem>> -> memref<104xi32, #tpu.memory_space<vmem>>
    %dma_start3A_287 = arith.constant 0 : i32
    %dma_start3A_288 = arith.constant 0 : i32
    %dma_start3A_289 = tpu.memref_slice %arg2[%dma_start3A_287, %dma_start3A_288] : memref<1000000x16xf32, #tpu.memory_space<hbm>> -> memref<1000000x16xf32, #tpu.memory_space<hbm>>
    tpu.enqueue_indirect_dma source(%dma_start3A_289 : memref<1000000x16xf32, #tpu.memory_space<hbm>>) target(%dma_start3A_283 : memref<104x16xf32, #tpu.memory_space<vmem>>) offsets(%dma_start3A_286 : memref<104xi32, #tpu.memory_space<vmem>>) semaphore(%arg10 : memref<!tpu.dma_semaphore, #tpu.memory_space<semaphore_mem>>)
    %dma_start3A_290 = arith.constant 12 : i32
    %dma_start3A_291 = arith.constant 12 : i32
    %dma_start3A_292 = arith.constant 0 : i32
    %dma_start3A_293 = arith.constant 0 : i32
    %dma_start3A_294 = tpu.memref_slice %arg7[%dma_start3A_291, %dma_start3A_292, %dma_start3A_293] : memref<16x200x16xf32, #tpu.memory_space<vmem>> -> memref<1x96x16xf32, #tpu.memory_space<vmem>>
    %dma_start3A_295 = tpu.memref_squeeze %dma_start3A_294 : memref<1x96x16xf32, #tpu.memory_space<vmem>> -> memref<96x16xf32, #tpu.memory_space<vmem>>
    %dma_start3A_296 = arith.constant 0 : i32
    %dma_start3A_297 = tpu.memref_slice %arg6[%dma_start3A_290, %dma_start3A_296] : memref<128x200xi32, #tpu.memory_space<vmem>> -> memref<1x96xi32, #tpu.memory_space<vmem>>
    %dma_start3A_298 = tpu.memref_squeeze %dma_start3A_297 : memref<1x96xi32, #tpu.memory_space<vmem>> -> memref<96xi32, #tpu.memory_space<vmem>>
    %dma_start3A_299 = arith.constant 0 : i32
    %dma_start3A_300 = arith.constant 0 : i32
    %dma_start3A_301 = tpu.memref_slice %arg2[%dma_start3A_299, %dma_start3A_300] : memref<1000000x16xf32, #tpu.memory_space<hbm>> -> memref<1000000x16xf32, #tpu.memory_space<hbm>>
    tpu.enqueue_indirect_dma source(%dma_start3A_301 : memref<1000000x16xf32, #tpu.memory_space<hbm>>) target(%dma_start3A_295 : memref<96x16xf32, #tpu.memory_space<vmem>>) offsets(%dma_start3A_298 : memref<96xi32, #tpu.memory_space<vmem>>) semaphore(%arg10 : memref<!tpu.dma_semaphore, #tpu.memory_space<semaphore_mem>>)
    %dma_start3A_302 = arith.constant 12 : i32
    %dma_start3A_303 = arith.constant 12 : i32
    %dma_start3A_304 = arith.constant 96 : i32
    %dma_start3A_305 = arith.constant 0 : i32
    %dma_start3A_306 = tpu.memref_slice %arg7[%dma_start3A_303, %dma_start3A_304, %dma_start3A_305] : memref<16x200x16xf32, #tpu.memory_space<vmem>> -> memref<1x104x16xf32, #tpu.memory_space<vmem>>
    %dma_start3A_307 = tpu.memref_squeeze %dma_start3A_306 : memref<1x104x16xf32, #tpu.memory_space<vmem>> -> memref<104x16xf32, #tpu.memory_space<vmem>>
    %dma_start3A_308 = arith.constant 96 : i32
    %dma_start3A_309 = tpu.memref_slice %arg6[%dma_start3A_302, %dma_start3A_308] : memref<128x200xi32, #tpu.memory_space<vmem>> -> memref<1x104xi32, #tpu.memory_space<vmem>>
    %dma_start3A_310 = tpu.memref_squeeze %dma_start3A_309 : memref<1x104xi32, #tpu.memory_space<vmem>> -> memref<104xi32, #tpu.memory_space<vmem>>
    %dma_start3A_311 = arith.constant 0 : i32
    %dma_start3A_312 = arith.constant 0 : i32
    %dma_start3A_313 = tpu.memref_slice %arg2[%dma_start3A_311, %dma_start3A_312] : memref<1000000x16xf32, #tpu.memory_space<hbm>> -> memref<1000000x16xf32, #tpu.memory_space<hbm>>
    tpu.enqueue_indirect_dma source(%dma_start3A_313 : memref<1000000x16xf32, #tpu.memory_space<hbm>>) target(%dma_start3A_307 : memref<104x16xf32, #tpu.memory_space<vmem>>) offsets(%dma_start3A_310 : memref<104xi32, #tpu.memory_space<vmem>>) semaphore(%arg10 : memref<!tpu.dma_semaphore, #tpu.memory_space<semaphore_mem>>)
    %dma_start3A_314 = arith.constant 13 : i32
    %dma_start3A_315 = arith.constant 13 : i32
    %dma_start3A_316 = arith.constant 0 : i32
    %dma_start3A_317 = arith.constant 0 : i32
    %dma_start3A_318 = tpu.memref_slice %arg7[%dma_start3A_315, %dma_start3A_316, %dma_start3A_317] : memref<16x200x16xf32, #tpu.memory_space<vmem>> -> memref<1x96x16xf32, #tpu.memory_space<vmem>>
    %dma_start3A_319 = tpu.memref_squeeze %dma_start3A_318 : memref<1x96x16xf32, #tpu.memory_space<vmem>> -> memref<96x16xf32, #tpu.memory_space<vmem>>
    %dma_start3A_320 = arith.constant 0 : i32
    %dma_start3A_321 = tpu.memref_slice %arg6[%dma_start3A_314, %dma_start3A_320] : memref<128x200xi32, #tpu.memory_space<vmem>> -> memref<1x96xi32, #tpu.memory_space<vmem>>
    %dma_start3A_322 = tpu.memref_squeeze %dma_start3A_321 : memref<1x96xi32, #tpu.memory_space<vmem>> -> memref<96xi32, #tpu.memory_space<vmem>>
    %dma_start3A_323 = arith.constant 0 : i32
    %dma_start3A_324 = arith.constant 0 : i32
    %dma_start3A_325 = tpu.memref_slice %arg2[%dma_start3A_323, %dma_start3A_324] : memref<1000000x16xf32, #tpu.memory_space<hbm>> -> memref<1000000x16xf32, #tpu.memory_space<hbm>>
    tpu.enqueue_indirect_dma source(%dma_start3A_325 : memref<1000000x16xf32, #tpu.memory_space<hbm>>) target(%dma_start3A_319 : memref<96x16xf32, #tpu.memory_space<vmem>>) offsets(%dma_start3A_322 : memref<96xi32, #tpu.memory_space<vmem>>) semaphore(%arg10 : memref<!tpu.dma_semaphore, #tpu.memory_space<semaphore_mem>>)
    %dma_start3A_326 = arith.constant 13 : i32
    %dma_start3A_327 = arith.constant 13 : i32
    %dma_start3A_328 = arith.constant 96 : i32
    %dma_start3A_329 = arith.constant 0 : i32
    %dma_start3A_330 = tpu.memref_slice %arg7[%dma_start3A_327, %dma_start3A_328, %dma_start3A_329] : memref<16x200x16xf32, #tpu.memory_space<vmem>> -> memref<1x104x16xf32, #tpu.memory_space<vmem>>
    %dma_start3A_331 = tpu.memref_squeeze %dma_start3A_330 : memref<1x104x16xf32, #tpu.memory_space<vmem>> -> memref<104x16xf32, #tpu.memory_space<vmem>>
    %dma_start3A_332 = arith.constant 96 : i32
    %dma_start3A_333 = tpu.memref_slice %arg6[%dma_start3A_326, %dma_start3A_332] : memref<128x200xi32, #tpu.memory_space<vmem>> -> memref<1x104xi32, #tpu.memory_space<vmem>>
    %dma_start3A_334 = tpu.memref_squeeze %dma_start3A_333 : memref<1x104xi32, #tpu.memory_space<vmem>> -> memref<104xi32, #tpu.memory_space<vmem>>
    %dma_start3A_335 = arith.constant 0 : i32
    %dma_start3A_336 = arith.constant 0 : i32
    %dma_start3A_337 = tpu.memref_slice %arg2[%dma_start3A_335, %dma_start3A_336] : memref<1000000x16xf32, #tpu.memory_space<hbm>> -> memref<1000000x16xf32, #tpu.memory_space<hbm>>
    tpu.enqueue_indirect_dma source(%dma_start3A_337 : memref<1000000x16xf32, #tpu.memory_space<hbm>>) target(%dma_start3A_331 : memref<104x16xf32, #tpu.memory_space<vmem>>) offsets(%dma_start3A_334 : memref<104xi32, #tpu.memory_space<vmem>>) semaphore(%arg10 : memref<!tpu.dma_semaphore, #tpu.memory_space<semaphore_mem>>)
    %dma_start3A_338 = arith.constant 14 : i32
    %dma_start3A_339 = arith.constant 14 : i32
    %dma_start3A_340 = arith.constant 0 : i32
    %dma_start3A_341 = arith.constant 0 : i32
    %dma_start3A_342 = tpu.memref_slice %arg7[%dma_start3A_339, %dma_start3A_340, %dma_start3A_341] : memref<16x200x16xf32, #tpu.memory_space<vmem>> -> memref<1x96x16xf32, #tpu.memory_space<vmem>>
    %dma_start3A_343 = tpu.memref_squeeze %dma_start3A_342 : memref<1x96x16xf32, #tpu.memory_space<vmem>> -> memref<96x16xf32, #tpu.memory_space<vmem>>
    %dma_start3A_344 = arith.constant 0 : i32
    %dma_start3A_345 = tpu.memref_slice %arg6[%dma_start3A_338, %dma_start3A_344] : memref<128x200xi32, #tpu.memory_space<vmem>> -> memref<1x96xi32, #tpu.memory_space<vmem>>
    %dma_start3A_346 = tpu.memref_squeeze %dma_start3A_345 : memref<1x96xi32, #tpu.memory_space<vmem>> -> memref<96xi32, #tpu.memory_space<vmem>>
    %dma_start3A_347 = arith.constant 0 : i32
    %dma_start3A_348 = arith.constant 0 : i32
    %dma_start3A_349 = tpu.memref_slice %arg2[%dma_start3A_347, %dma_start3A_348] : memref<1000000x16xf32, #tpu.memory_space<hbm>> -> memref<1000000x16xf32, #tpu.memory_space<hbm>>
    tpu.enqueue_indirect_dma source(%dma_start3A_349 : memref<1000000x16xf32, #tpu.memory_space<hbm>>) target(%dma_start3A_343 : memref<96x16xf32, #tpu.memory_space<vmem>>) offsets(%dma_start3A_346 : memref<96xi32, #tpu.memory_space<vmem>>) semaphore(%arg10 : memref<!tpu.dma_semaphore, #tpu.memory_space<semaphore_mem>>)
    %dma_start3A_350 = arith.constant 14 : i32
    %dma_start3A_351 = arith.constant 14 : i32
    %dma_start3A_352 = arith.constant 96 : i32
    %dma_start3A_353 = arith.constant 0 : i32
    %dma_start3A_354 = tpu.memref_slice %arg7[%dma_start3A_351, %dma_start3A_352, %dma_start3A_353] : memref<16x200x16xf32, #tpu.memory_space<vmem>> -> memref<1x104x16xf32, #tpu.memory_space<vmem>>
    %dma_start3A_355 = tpu.memref_squeeze %dma_start3A_354 : memref<1x104x16xf32, #tpu.memory_space<vmem>> -> memref<104x16xf32, #tpu.memory_space<vmem>>
    %dma_start3A_356 = arith.constant 96 : i32
    %dma_start3A_357 = tpu.memref_slice %arg6[%dma_start3A_350, %dma_start3A_356] : memref<128x200xi32, #tpu.memory_space<vmem>> -> memref<1x104xi32, #tpu.memory_space<vmem>>
    %dma_start3A_358 = tpu.memref_squeeze %dma_start3A_357 : memref<1x104xi32, #tpu.memory_space<vmem>> -> memref<104xi32, #tpu.memory_space<vmem>>
    %dma_start3A_359 = arith.constant 0 : i32
    %dma_start3A_360 = arith.constant 0 : i32
    %dma_start3A_361 = tpu.memref_slice %arg2[%dma_start3A_359, %dma_start3A_360] : memref<1000000x16xf32, #tpu.memory_space<hbm>> -> memref<1000000x16xf32, #tpu.memory_space<hbm>>
    tpu.enqueue_indirect_dma source(%dma_start3A_361 : memref<1000000x16xf32, #tpu.memory_space<hbm>>) target(%dma_start3A_355 : memref<104x16xf32, #tpu.memory_space<vmem>>) offsets(%dma_start3A_358 : memref<104xi32, #tpu.memory_space<vmem>>) semaphore(%arg10 : memref<!tpu.dma_semaphore, #tpu.memory_space<semaphore_mem>>)
    %scan3A = arith.constant 0 : i32
    %scan3A_362 = arith.constant 0 : i32
    %scan3A_363 = arith.constant 128 : i32
    %scan3A_364 = arith.addi %scan3A_362, %scan3A_363 : i32
    %scan3A_365 = arith.constant 1 : i32
    %scan3A_366 = scf.for %scan3A_368 = %scan3A_362 to %scan3A_364 step %scan3A_365 iter_args(%scan3A_369 = %scan3A) -> (i32)  : i32 {
      %rem3A = arith.constant 16 : i32
      %rem3A_370 = arith.remsi %scan3A_368, %rem3A : i32
      %add3A_371 = arith.constant 15 : i32
      %add3A_372 = arith.addi %scan3A_368, %add3A_371 : i32
      %lt3A = arith.constant 128 : i32
      %lt3A_373 = arith.cmpi slt, %add3A_372, %lt3A : i32
      %convert_element_type3A = arith.extui %lt3A_373 : i1 to i32
      %cond3A = arith.constant 0 : i32
      %cond3A_374 = arith.cmpi ne, %convert_element_type3A, %cond3A : i32
      scf.if %cond3A_374 {
        %add3A_407 = arith.constant 15 : i32
        %add3A_408 = arith.addi %scan3A_368, %add3A_407 : i32
        %add3A_409 = arith.constant 15 : i32
        %add3A_410 = arith.addi %scan3A_368, %add3A_409 : i32
        %rem3A_411 = arith.constant 16 : i32
        %rem3A_412 = arith.remsi %add3A_410, %rem3A_411 : i32
        %dma_start3A_413 = arith.constant 0 : i32
        %dma_start3A_414 = arith.constant 0 : i32
        %dma_start3A_415 = tpu.memref_slice %arg7[%rem3A_412, %dma_start3A_413, %dma_start3A_414] : memref<16x200x16xf32, #tpu.memory_space<vmem>> -> memref<1x96x16xf32, #tpu.memory_space<vmem>>
        %dma_start3A_416 = tpu.memref_squeeze %dma_start3A_415 : memref<1x96x16xf32, #tpu.memory_space<vmem>> -> memref<96x16xf32, #tpu.memory_space<vmem>>
        %dma_start3A_417 = arith.constant 0 : i32
        %dma_start3A_418 = tpu.memref_slice %arg6[%add3A_408, %dma_start3A_417] : memref<128x200xi32, #tpu.memory_space<vmem>> -> memref<1x96xi32, #tpu.memory_space<vmem>>
        %dma_start3A_419 = tpu.memref_squeeze %dma_start3A_418 : memref<1x96xi32, #tpu.memory_space<vmem>> -> memref<96xi32, #tpu.memory_space<vmem>>
        %dma_start3A_420 = arith.constant 0 : i32
        %dma_start3A_421 = arith.constant 0 : i32
        %dma_start3A_422 = tpu.memref_slice %arg2[%dma_start3A_420, %dma_start3A_421] : memref<1000000x16xf32, #tpu.memory_space<hbm>> -> memref<1000000x16xf32, #tpu.memory_space<hbm>>
        tpu.enqueue_indirect_dma source(%dma_start3A_422 : memref<1000000x16xf32, #tpu.memory_space<hbm>>) target(%dma_start3A_416 : memref<96x16xf32, #tpu.memory_space<vmem>>) offsets(%dma_start3A_419 : memref<96xi32, #tpu.memory_space<vmem>>) semaphore(%arg10 : memref<!tpu.dma_semaphore, #tpu.memory_space<semaphore_mem>>)
        %dma_start3A_423 = arith.constant 96 : i32
        %dma_start3A_424 = arith.constant 0 : i32
        %dma_start3A_425 = tpu.memref_slice %arg7[%rem3A_412, %dma_start3A_423, %dma_start3A_424] : memref<16x200x16xf32, #tpu.memory_space<vmem>> -> memref<1x104x16xf32, #tpu.memory_space<vmem>>
        %dma_start3A_426 = tpu.memref_squeeze %dma_start3A_425 : memref<1x104x16xf32, #tpu.memory_space<vmem>> -> memref<104x16xf32, #tpu.memory_space<vmem>>
        %dma_start3A_427 = arith.constant 96 : i32
        %dma_start3A_428 = tpu.memref_slice %arg6[%add3A_408, %dma_start3A_427] : memref<128x200xi32, #tpu.memory_space<vmem>> -> memref<1x104xi32, #tpu.memory_space<vmem>>
        %dma_start3A_429 = tpu.memref_squeeze %dma_start3A_428 : memref<1x104xi32, #tpu.memory_space<vmem>> -> memref<104xi32, #tpu.memory_space<vmem>>
        %dma_start3A_430 = arith.constant 0 : i32
        %dma_start3A_431 = arith.constant 0 : i32
        %dma_start3A_432 = tpu.memref_slice %arg2[%dma_start3A_430, %dma_start3A_431] : memref<1000000x16xf32, #tpu.memory_space<hbm>> -> memref<1000000x16xf32, #tpu.memory_space<hbm>>
        tpu.enqueue_indirect_dma source(%dma_start3A_432 : memref<1000000x16xf32, #tpu.memory_space<hbm>>) target(%dma_start3A_426 : memref<104x16xf32, #tpu.memory_space<vmem>>) offsets(%dma_start3A_429 : memref<104xi32, #tpu.memory_space<vmem>>) semaphore(%arg10 : memref<!tpu.dma_semaphore, #tpu.memory_space<semaphore_mem>>)
      } else {
      }
      %dma_wait3A = arith.constant 0 : i32
      %dma_wait3A_375 = arith.constant 0 : i32
      %dma_wait3A_376 = tpu.memref_slice %arg7[%rem3A_370, %dma_wait3A, %dma_wait3A_375] : memref<16x200x16xf32, #tpu.memory_space<vmem>> -> memref<1x96x16xf32, #tpu.memory_space<vmem>>
      %dma_wait3A_377 = tpu.memref_squeeze %dma_wait3A_376 : memref<1x96x16xf32, #tpu.memory_space<vmem>> -> memref<96x16xf32, #tpu.memory_space<vmem>>
      %dma_wait3A_378 = arith.constant 0 : i32
      %dma_wait3A_379 = tpu.memref_slice %arg6[%scan3A_368, %dma_wait3A_378] : memref<128x200xi32, #tpu.memory_space<vmem>> -> memref<1x96xi32, #tpu.memory_space<vmem>>
      %dma_wait3A_380 = tpu.memref_squeeze %dma_wait3A_379 : memref<1x96xi32, #tpu.memory_space<vmem>> -> memref<96xi32, #tpu.memory_space<vmem>>
      %dma_wait3A_381 = arith.constant 0 : i32
      %dma_wait3A_382 = arith.constant 0 : i32
      %dma_wait3A_383 = tpu.memref_slice %arg2[%dma_wait3A_381, %dma_wait3A_382] : memref<1000000x16xf32, #tpu.memory_space<hbm>> -> memref<1000000x16xf32, #tpu.memory_space<hbm>>
      tpu.wait_indirect_dma semaphore(%arg10 : memref<!tpu.dma_semaphore, #tpu.memory_space<semaphore_mem>>) src(%dma_wait3A_383 : memref<1000000x16xf32, #tpu.memory_space<hbm>>) dst(%dma_wait3A_377 : memref<96x16xf32, #tpu.memory_space<vmem>>)
      %dma_wait3A_384 = arith.constant 96 : i32
      %dma_wait3A_385 = arith.constant 0 : i32
      %dma_wait3A_386 = tpu.memref_slice %arg7[%rem3A_370, %dma_wait3A_384, %dma_wait3A_385] : memref<16x200x16xf32, #tpu.memory_space<vmem>> -> memref<1x104x16xf32, #tpu.memory_space<vmem>>
      %dma_wait3A_387 = tpu.memref_squeeze %dma_wait3A_386 : memref<1x104x16xf32, #tpu.memory_space<vmem>> -> memref<104x16xf32, #tpu.memory_space<vmem>>
      %dma_wait3A_388 = arith.constant 96 : i32
      %dma_wait3A_389 = tpu.memref_slice %arg6[%scan3A_368, %dma_wait3A_388] : memref<128x200xi32, #tpu.memory_space<vmem>> -> memref<1x104xi32, #tpu.memory_space<vmem>>
      %dma_wait3A_390 = tpu.memref_squeeze %dma_wait3A_389 : memref<1x104xi32, #tpu.memory_space<vmem>> -> memref<104xi32, #tpu.memory_space<vmem>>
      %dma_wait3A_391 = arith.constant 0 : i32
      %dma_wait3A_392 = arith.constant 0 : i32
      %dma_wait3A_393 = tpu.memref_slice %arg2[%dma_wait3A_391, %dma_wait3A_392] : memref<1000000x16xf32, #tpu.memory_space<hbm>> -> memref<1000000x16xf32, #tpu.memory_space<hbm>>
      tpu.wait_indirect_dma semaphore(%arg10 : memref<!tpu.dma_semaphore, #tpu.memory_space<semaphore_mem>>) src(%dma_wait3A_393 : memref<1000000x16xf32, #tpu.memory_space<hbm>>) dst(%dma_wait3A_387 : memref<104x16xf32, #tpu.memory_space<vmem>>)
      %get3A = arith.constant 0 : index
      %get3A_394 = tpu.vector_load %arg9[%get3A] {strides = array<i32>} : memref<16xf32, #tpu.memory_space<vmem>>, vector<16xf32>,
      %get3A_395 = vector.shape_cast %get3A_394 : vector<16xf32> to vector<16xf32>
      %scan3A_396 = arith.constant 0 : i32
      %scan3A_397 = arith.constant 200 : i32
      %scan3A_398 = arith.addi %scan3A_396, %scan3A_397 : i32
      %scan3A_399 = arith.constant 8 : i32
      %scan3A_400 = scf.for %scan3A_407 = %scan3A_396 to %scan3A_398 step %scan3A_399 iter_args(%scan3A_408 = %get3A_395) -> (vector<16xf32>)  : i32 {
        %get3A_409 = arith.index_cast %rem3A_370 : i32 to index
        %get3A_410 = arith.index_cast %scan3A_407 : i32 to index
        %get3A_411 = arith.constant 0 : index
        %get3A_412 = tpu.vector_load %arg7[%get3A_409, %get3A_410, %get3A_411] {strides = array<i32>} : memref<16x200x16xf32, #tpu.memory_space<vmem>>, vector<1x1x16xf32>,
        %get3A_413 = vector.shape_cast %get3A_412 : vector<1x1x16xf32> to vector<16xf32>
        %add3A_414 = arith.addf %scan3A_408, %get3A_413 : vector<16xf32>
        %scan3A_415 = arith.constant 1 : i32
        %scan3A_416 = arith.addi %scan3A_407, %scan3A_415 : i32
        %get3A_417 = arith.index_cast %rem3A_370 : i32 to index
        %get3A_418 = arith.index_cast %scan3A_416 : i32 to index
        %get3A_419 = arith.constant 0 : index
        %get3A_420 = tpu.vector_load %arg7[%get3A_417, %get3A_418, %get3A_419] {strides = array<i32>} : memref<16x200x16xf32, #tpu.memory_space<vmem>>, vector<1x1x16xf32>,
        %get3A_421 = vector.shape_cast %get3A_420 : vector<1x1x16xf32> to vector<16xf32>
        %add3A_422 = arith.addf %add3A_414, %get3A_421 : vector<16xf32>
        %scan3A_423 = arith.constant 2 : i32
        %scan3A_424 = arith.addi %scan3A_407, %scan3A_423 : i32
        %get3A_425 = arith.index_cast %rem3A_370 : i32 to index
        %get3A_426 = arith.index_cast %scan3A_424 : i32 to index
        %get3A_427 = arith.constant 0 : index
        %get3A_428 = tpu.vector_load %arg7[%get3A_425, %get3A_426, %get3A_427] {strides = array<i32>} : memref<16x200x16xf32, #tpu.memory_space<vmem>>, vector<1x1x16xf32>,
        %get3A_429 = vector.shape_cast %get3A_428 : vector<1x1x16xf32> to vector<16xf32>
        %add3A_430 = arith.addf %add3A_422, %get3A_429 : vector<16xf32>
        %scan3A_431 = arith.constant 3 : i32
        %scan3A_432 = arith.addi %scan3A_407, %scan3A_431 : i32
        %get3A_433 = arith.index_cast %rem3A_370 : i32 to index
        %get3A_434 = arith.index_cast %scan3A_432 : i32 to index
        %get3A_435 = arith.constant 0 : index
        %get3A_436 = tpu.vector_load %arg7[%get3A_433, %get3A_434, %get3A_435] {strides = array<i32>} : memref<16x200x16xf32, #tpu.memory_space<vmem>>, vector<1x1x16xf32>,
        %get3A_437 = vector.shape_cast %get3A_436 : vector<1x1x16xf32> to vector<16xf32>
        %add3A_438 = arith.addf %add3A_430, %get3A_437 : vector<16xf32>
        %scan3A_439 = arith.constant 4 : i32
        %scan3A_440 = arith.addi %scan3A_407, %scan3A_439 : i32
        %get3A_441 = arith.index_cast %rem3A_370 : i32 to index
        %get3A_442 = arith.index_cast %scan3A_440 : i32 to index
        %get3A_443 = arith.constant 0 : index
        %get3A_444 = tpu.vector_load %arg7[%get3A_441, %get3A_442, %get3A_443] {strides = array<i32>} : memref<16x200x16xf32, #tpu.memory_space<vmem>>, vector<1x1x16xf32>,
        %get3A_445 = vector.shape_cast %get3A_444 : vector<1x1x16xf32> to vector<16xf32>
        %add3A_446 = arith.addf %add3A_438, %get3A_445 : vector<16xf32>
        %scan3A_447 = arith.constant 5 : i32
        %scan3A_448 = arith.addi %scan3A_407, %scan3A_447 : i32
        %get3A_449 = arith.index_cast %rem3A_370 : i32 to index
        %get3A_450 = arith.index_cast %scan3A_448 : i32 to index
        %get3A_451 = arith.constant 0 : index
        %get3A_452 = tpu.vector_load %arg7[%get3A_449, %get3A_450, %get3A_451] {strides = array<i32>} : memref<16x200x16xf32, #tpu.memory_space<vmem>>, vector<1x1x16xf32>,
        %get3A_453 = vector.shape_cast %get3A_452 : vector<1x1x16xf32> to vector<16xf32>
        %add3A_454 = arith.addf %add3A_446, %get3A_453 : vector<16xf32>
        %scan3A_455 = arith.constant 6 : i32
        %scan3A_456 = arith.addi %scan3A_407, %scan3A_455 : i32
        %get3A_457 = arith.index_cast %rem3A_370 : i32 to index
        %get3A_458 = arith.index_cast %scan3A_456 : i32 to index
        %get3A_459 = arith.constant 0 : index
        %get3A_460 = tpu.vector_load %arg7[%get3A_457, %get3A_458, %get3A_459] {strides = array<i32>} : memref<16x200x16xf32, #tpu.memory_space<vmem>>, vector<1x1x16xf32>,
        %get3A_461 = vector.shape_cast %get3A_460 : vector<1x1x16xf32> to vector<16xf32>
        %add3A_462 = arith.addf %add3A_454, %get3A_461 : vector<16xf32>
        %scan3A_463 = arith.constant 7 : i32
        %scan3A_464 = arith.addi %scan3A_407, %scan3A_463 : i32
        %get3A_465 = arith.index_cast %rem3A_370 : i32 to index
        %get3A_466 = arith.index_cast %scan3A_464 : i32 to index
        %get3A_467 = arith.constant 0 : index
        %get3A_468 = tpu.vector_load %arg7[%get3A_465, %get3A_466, %get3A_467] {strides = array<i32>} : memref<16x200x16xf32, #tpu.memory_space<vmem>>, vector<1x1x16xf32>,
        %get3A_469 = vector.shape_cast %get3A_468 : vector<1x1x16xf32> to vector<16xf32>
        %add3A_470 = arith.addf %add3A_462, %get3A_469 : vector<16xf32>
        scf.yield %add3A_470 : vector<16xf32>
      }
      %scan3A_401 = arith.constant 200 : i32
      %swap3A = arith.index_cast %scan3A_368 : i32 to index
      %swap3A_402 = arith.constant 0 : index
      %swap3A_403 = tpu.vector_load %arg8[%swap3A, %swap3A_402] {strides = array<i32>} : memref<128x16xf32, #tpu.memory_space<vmem>>, vector<1x16xf32>,
      %swap3A_404 = vector.shape_cast %swap3A_403 : vector<1x16xf32> to vector<16xf32>
      %swap3A_405 = vector.shape_cast %scan3A_400 : vector<16xf32> to vector<1x16xf32>
      tpu.vector_store %arg8[%swap3A, %swap3A_402], %swap3A_405 {strides = array<i32>} : memref<128x16xf32, #tpu.memory_space<vmem>>, vector<1x16xf32>,
      %scan3A_406 = arith.constant 0 : i32
      scf.yield %scan3A_406 : i32
    }
    %scan3A_367 = arith.constant 128 : i32
    "tpu.region"() ({
      %run_scoped3A = tpu.sem_alloc : memref<!tpu.dma_semaphore, #tpu.memory_space<semaphore_mem>>
      %dma_start3A_368 = arith.constant 0 : i32
      %dma_start3A_369 = tpu.memref_slice %arg5[%mul3A_2, %dma_start3A_368] : memref<4096x16xf32, #tpu.memory_space<hbm>> -> memref<128x16xf32, #tpu.memory_space<hbm>>
      %dma_start3A_370 = arith.constant 0 : i32
      %dma_start3A_371 = tpu.memref_slice %arg5[%mul3A_2, %dma_start3A_370] : memref<4096x16xf32, #tpu.memory_space<hbm>> -> memref<128x16xf32, #tpu.memory_space<hbm>>
      tpu.enqueue_dma source(%arg8 : memref<128x16xf32, #tpu.memory_space<vmem>>) target(%dma_start3A_371 : memref<128x16xf32, #tpu.memory_space<hbm>>) target_semaphore(%run_scoped3A : memref<!tpu.dma_semaphore, #tpu.memory_space<semaphore_mem>>)
      %dma_wait3A = arith.constant 0 : i32
      %dma_wait3A_372 = tpu.memref_slice %arg5[%mul3A_2, %dma_wait3A] : memref<4096x16xf32, #tpu.memory_space<hbm>> -> memref<128x16xf32, #tpu.memory_space<hbm>>
      %dma_wait3A_373 = arith.constant 0 : i32
      %dma_wait3A_374 = tpu.memref_slice %arg5[%mul3A_2, %dma_wait3A_373] : memref<4096x16xf32, #tpu.memory_space<hbm>> -> memref<128x16xf32, #tpu.memory_space<hbm>>
      tpu.wait_dma2 semaphore(%run_scoped3A : memref<!tpu.dma_semaphore, #tpu.memory_space<semaphore_mem>>) src(%arg8 : memref<128x16xf32, #tpu.memory_space<vmem>>) dst(%dma_wait3A_374 : memref<128x16xf32, #tpu.memory_space<hbm>>)
      tpu.yield
    }) : () -> ()
    return
  }
}

module attributes {stable_mosaic.version = 14 : i64} {
  func.func @_proj_body(%arg0: i32, %arg1: memref<64x32768xf32, #tpu.memory_space<vmem>>, %arg2: memref<64x128xbf16, #tpu.memory_space<vmem>>, %arg3: memref<8x128xf32, #tpu.memory_space<vmem>>, %arg4: memref<4096x128xf32, #tpu.memory_space<vmem>>) attributes {dimension_semantics = [#tpu.dimension_semantics<arbitrary>], iteration_bounds = array<i64: 31>, scalar_prefetch = 0 : i64, scratch_operands = 0 : i64, tpu.core_type = #tpu.core_type<tc>, window_params = [{transform_indices = @transform_0, window_bounds = array<i64: 64, 32768>}, {pipeline_mode = #tpu.pipeline_mode<synchronous>, transform_indices = @transform_1, window_bounds = array<i64: 64, 128>}, {pipeline_mode = #tpu.pipeline_mode<synchronous>, transform_indices = @transform_2, window_bounds = array<i64: 8, 128>}, {transform_indices = @transform_3, window_bounds = array<i64: 4096, 128>}]} {
    %get3A = arith.constant 0 : index
    %get3A_0 = arith.constant 0 : index
    %get3A_1 = vector.load %arg1[%get3A, %get3A_0] : memref<64x32768xf32, #tpu.memory_space<vmem>>, vector<64x32768xf32>
    %convert_element_type3A = arith.truncf %get3A_1 : vector<64x32768xf32> to vector<64x32768xbf16>
    %get3A_2 = arith.constant 0 : index
    %get3A_3 = arith.constant 0 : index
    %get3A_4 = vector.load %arg2[%get3A_2, %get3A_3] : memref<64x128xbf16, #tpu.memory_space<vmem>>, vector<64x128xbf16>
    %dot_general3A = arith.constant dense<0.000000e+00> : vector<32768x128xf32>
    %dot_general3A_5 = tpu.matmul %convert_element_type3A, %get3A_4, %dot_general3A {dimension_numbers = #tpu.dot_dimension_numbers<[0], [0], [1], [1], [0, 1, 1, 1], [], []>, transpose_lhs_hint = false} : vector<64x32768xbf16>, vector<64x128xbf16>, vector<32768x128xf32> -> vector<32768x128xf32>
    %reshape3A = vector.shape_cast %dot_general3A_5 : vector<32768x128xf32> to vector<4096x8x128xf32>
    %get3A_6 = arith.constant 0 : index
    %get3A_7 = arith.constant 0 : index
    %get3A_8 = vector.load %arg3[%get3A_6, %get3A_7] : memref<8x128xf32, #tpu.memory_space<vmem>>, vector<8x128xf32>
    %reshape3A_9 = vector.shape_cast %get3A_8 : vector<8x128xf32> to vector<1x8x128xf32>
    %mul3A = vector.broadcast %reshape3A_9 : vector<1x8x128xf32> to vector<4096x8x128xf32>
    %mul3A_10 = arith.mulf %reshape3A, %mul3A : vector<4096x8x128xf32>
    %reduce_sum3A = arith.constant dense<0.000000e+00> : vector<4096x128xf32>
    %reduce_sum3A_11 = vector.multi_reduction <add>, %mul3A_10, %reduce_sum3A [1] : vector<4096x8x128xf32> to vector<4096x128xf32>
    %swap3A = arith.constant 0 : index
    %swap3A_12 = arith.constant 0 : index
    %swap3A_13 = vector.load %arg4[%swap3A, %swap3A_12] : memref<4096x128xf32, #tpu.memory_space<vmem>>, vector<4096x128xf32>
    tpu.vector_store %arg4[%swap3A, %swap3A_12], %reduce_sum3A_11 {strides = array<i32>} : memref<4096x128xf32, #tpu.memory_space<vmem>>, vector<4096x128xf32>,
    return
  }
  func.func @transform_0(%arg0: i32) -> (i32, i32) {
    %c0_i32 = arith.constant 0 : i32
    %c0_i32_0 = arith.constant 0 : i32
    return %c0_i32, %arg0 : i32, i32
  }
  func.func @transform_1(%arg0: i32) -> (i32, i32) {
    %c0_i32 = arith.constant 0 : i32
    %c0_i32_0 = arith.constant 0 : i32
    %c0_i32_1 = arith.constant 0 : i32
    return %c0_i32, %c0_i32_0 : i32, i32
  }
  func.func @transform_2(%arg0: i32) -> (i32, i32) {
    %c0_i32 = arith.constant 0 : i32
    %c0_i32_0 = arith.constant 0 : i32
    %c0_i32_1 = arith.constant 0 : i32
    return %c0_i32, %c0_i32_0 : i32, i32
  }
  func.func @transform_3(%arg0: i32) -> (i32, i32) {
    %c0_i32 = arith.constant 0 : i32
    %c0_i32_0 = arith.constant 0 : i32
    return %arg0, %c0_i32 : i32, i32
  }
}

</mosaic_0001>

<sc_bundles>
// kernel: kernel.4.cloned.1.call-start
scs
__scs_entry_jumppad:
0x0: {  	(pc) =	sbr.rel $0x88, $3  }
0x1: {  	(tag) =	ssettag $0x0;
	lr =	simm.s32 $0x1  }
0x2: {  	[smem:$0x3F9D] =	sst lr;
	_ =	strace $0xD0000000  }
0x3: {  	_ = 	snop  }
0x4: {  	_ = 	snop  }
0x5: {  	_ = 	snop  }
0x6: {  	_ = 	snop  }
0x7: {  	_ = 	snop  }
__scs_overlays_trampoline_lowered:
0x8: {  	[smem:$0x3FAC] =	sst s0  }
0x9: {  	[smem:$0x3FAD] =	sst s1  }
0xa: {  	[smem:$0x3FAE] =	sst s2  }
0xb: {  	[smem:$0x3FAF] =	sst s3  }
0xc: {  	[smem:$0x3FB0] =	sst s4  }
0xd: {  	[smem:$0x3FB1] =	sst s5  }
0xe: {  	[smem:$0x3FB2] =	sst s6  }
0xf: {  	[smem:$0x3FB3] =	sst s7  }
0x10: {  	[smem:$0x3FB4] =	sst s8  }
0x11: {  	[smem:$0x3FB5] =	sst s9;
	s0 =	simm.s32 @!p0 $0x0  }
0x12: {  	s1 =	sld [smem:$0x3F9B];
	s0 =	simm.s32 @p0 $0x1  }
0x13: {  	[smem:$0x3FB6] =	sst s0;
	s0 =	simm.s32 @!p1 $0x0  }
0x14: {  	s2 =	sld [smem:$0x3F9A];
	s0 =	simm.s32 @p1 $0x1  }
0x15: {  	[smem:$0x3FB7] =	sst s0;
	s0 =	simm.s32 @!p2 $0x0  }
0x16: {  	s3 =	sld [smem:$0x3FDB];
	s0 =	simm.s32 @p2 $0x1  }
0x17: {  	s4 =	simm.s32 $0x1BF5;
	[smem:$0x3FB9] =	sst s0  }
0x18: {  	s0 =	sld [smem:$0x3F9C];
	_ =	swait.ge [sflag:s4], $0x0  }
0x19: {  	s7 =	sld [smem:$0x3F9D]  }
0x1a: {  	s8 =	sadd.s32 $0xFFFFE003, lr  }
0x1b: {  	s9 =	sadd.s32 $0xFFFFFEF7, lr;
	s5 =	simm.s32 $0xFFFFFFFF;
	p2 =	slt.u32 s8, $0xFFFFF086  }
0x1c: {  	p1 =	slt.u32 s9, $0xF7A;
	s5 =	simm.s32 @!p2 $0x0  }
0x1d: {  	s5 =	simm.s32 @p1 $0x1;
	p0 =	seq.s32 s7, s2  }
0x1e: {  	s7 =	smul.u32 @!p0 $0xF7A, s2;
	p2 =	seq.s32 @!p0 s5, $0x0  }
0x1f: {  	s9 =	smul.u32 $0xF7A, s1;
	s8 =	simm.s32 @!p0 $0x1BF5;
	p2 =	por !p2, p0  }
0x20: {  	[sflag:s8] =	ssyncset.s32 @!p0 $0xFFFFF086;
	s6 =	sadd.s32 @!p0 s3, s7;
	s7 =	simm.s32 @!p0 $0x108  }
0x21: {  	s3 =	sadd.s32 s3, s9;
	s6 =	sadd.s32 @!p0 $0x88, s6;
	s7 =	simm.s32 @p2 $0x1082  }
0x22: {  	[simem:s7], [sflag:s8] =	dma.local @!p0 [hbm:s6], $0xF7A  }
0x23: {  	s9 =	sor.u32 $0xD0000000, s2;
	s6 =	simm.s32 $0x108;
	_ =	swait.ge @!p0 [sflag:s8], $0x0  }
0x24: {  	s3 =	sadd.s32 $0x88, s3;
	s6 =	simm.s32 @!p1 $0x1082;
	[sflag:s4] =	ssyncset.s32 $0xFFFFF086  }
0x25: {  	[simem:s6], [sflag:s4] =	dma.local [hbm:s3], $0xF7A  }
0x26: {  	[smem:$0x3F9D] =	sst s1;
	(tag) =	ssettag s2;
	_ =	strace s9  }
0x27: {  	s1 =	sld [smem:$0x3FAD]  }
0x28: {  	s2 =	sld [smem:$0x3FAE]  }
0x29: {  	s4 =	sld [smem:$0x3FB0]  }
0x2a: {  	p0 =	seq.s32 s5, $0x0;
	s5 =	sld [smem:$0x3FB1]  }
0x2b: {  	s6 =	sld [smem:$0x3FB2]  }
0x2c: {  	s7 =	sld [smem:$0x3FB3]  }
0x2d: {  	s3 =	simm.s32 $0x108;
	s8 =	sld [smem:$0x3FB4]  }
0x2e: {  	s3 =	simm.s32 @!p0 $0x1082;
	s9 =	sld [smem:$0x3FB5]  }
0x2f: {  	lr =	sadd.s32 s0, s3;
	s0 =	sld [smem:$0x3FAC]  }
0x30: {  	s3 =	sld [smem:$0x3FAF]  }
0x31: {  	[smem:$0x3FB8] =	sst s10  }
0x32: {  	s10 =	sld [smem:$0x3FB6];
	_ =	sdelay $0x3  }
0x33: {  	p0 =	seq.s32 s10, $0x1;
	s10 =	sld [smem:$0x3FB8];
	_ =	sdelay $0x3  }
0x34: {  	[smem:$0x3FB8] =	sst s10  }
0x35: {  	s10 =	sld [smem:$0x3FB7];
	_ =	sdelay $0x3  }
0x36: {  	p1 =	seq.s32 s10, $0x1;
	s10 =	sld [smem:$0x3FB8];
	_ =	sdelay $0x3  }
0x37: {  	[smem:$0x3FB8] =	sst s10  }
0x38: {  	s10 =	sld [smem:$0x3FB9]  }
0x39: {  	_ = 	snop;
	(pc) =	sbr.ind lr, $3  }
0x3a: {  	_ = 	snop  }
0x3b: {  	_ = 	snop  }
0x3c: {  	p2 =	seq.s32 s10, $0x1;
	s10 =	sld [smem:$0x3FB8]  }
0x3d: {  	_ =	shalt  }
0x3e: {  	_ =	shalt  }
0x3f: {  	_ =	shalt  }
0x40: {  	_ =	shalt  }
0x41: {  	_ =	shalt  }
0x42: {  	_ =	shalt  }
0x43: {  	_ =	shalt  }
0x44: {  	_ =	shalt  }
0x45: {  	_ =	shalt  }
0x46: {  	_ =	shalt  }
0x47: {  	_ =	shalt  }
0x48: {  	_ =	shalt  }
0x49: {  	_ =	shalt  }
0x4a: {  	_ =	shalt  }
0x4b: {  	_ =	shalt  }
0x4c: {  	_ =	shalt  }
0x4d: {  	_ =	shalt  }
0x4e: {  	_ =	shalt  }
0x4f: {  	_ =	shalt  }
0x50: {  	_ =	shalt  }
0x51: {  	_ =	shalt  }
0x52: {  	_ =	shalt  }
0x53: {  	_ =	shalt  }
0x54: {  	_ =	shalt  }
0x55: {  	_ =	shalt  }
0x56: {  	_ =	shalt  }
0x57: {  	_ =	shalt  }
0x58: {  	_ =	shalt  }
0x59: {  	_ =	shalt  }
0x5a: {  	_ =	shalt  }
0x5b: {  	_ =	shalt  }
0x5c: {  	_ =	shalt  }
0x5d: {  	_ =	shalt  }
0x5e: {  	_ =	shalt  }
0x5f: {  	_ =	shalt  }
0x60: {  	_ =	shalt  }
0x61: {  	_ =	shalt  }
0x62: {  	_ =	shalt  }
0x63: {  	_ =	shalt  }
0x64: {  	_ =	shalt  }
0x65: {  	_ =	shalt  }
0x66: {  	_ =	shalt  }
0x67: {  	_ =	shalt  }
0x68: {  	_ =	shalt  }
0x69: {  	_ =	shalt  }
0x6a: {  	_ =	shalt  }
0x6b: {  	_ =	shalt  }
0x6c: {  	_ =	shalt  }
0x6d: {  	_ =	shalt  }
0x6e: {  	_ =	shalt  }
0x6f: {  	_ =	shalt  }
0x70: {  	_ =	shalt  }
0x71: {  	_ =	shalt  }
0x72: {  	_ =	shalt  }
0x73: {  	_ =	shalt  }
0x74: {  	_ =	shalt  }
0x75: {  	_ =	shalt  }
0x76: {  	_ =	shalt  }
0x77: {  	_ =	shalt  }
0x78: {  	_ =	shalt  }
0x79: {  	_ =	shalt  }
0x7a: {  	_ =	shalt  }
0x7b: {  	_ =	shalt  }
0x7c: {  	_ =	shalt  }
0x7d: {  	_ =	shalt  }
0x7e: {  	_ =	shalt  }
0x7f: {  	_ =	shalt  }
0x80: {  	_ =	shalt  }
0x81: {  	_ =	shalt  }
0x82: {  	_ =	shalt  }
0x83: {  	_ =	shalt  }
0x84: {  	_ =	shalt  }
0x85: {  	_ =	shalt  }
0x86: {  	_ =	shalt  }
0x87: {  	_ =	shalt  }
.Lfunc_end0:
.L_simem_size_0:
called_computation_lowered:
.L_overlay_start_0:
0x88: {  	s2 =	sld [smem:$0x3FD9]  }
0x89: {  	s3 =	sld [smem:$0x3FFE];
	_ =	sdelay $0x1  }
0x8a: {  	s1 =	srdreg.scid  }
0x8b: {  	s0 =	sand.u32 $0x1, s1  }
0x8c: {  	s17 =	sshll.u32 s0, $0xA;
	s2 =	sadd.s32 s3, s2  }
0x8d: {  	s2 =	sadd.s32 s2, s17  }
0x8e: {  	[smem:$0x3FC4] =	sst s2  }
0x8f: {  	_ = 	snop  }
0x90: {  	s2 =	sld [smem:$0x3FD0];
	(tm) =	ssettm $0x1  }
0x91: {  	s18 =	sld [smem:$0x3FFB];
	_ =	sdelay $0x3  }
0x92: {  	_ =	strace s18  }
0x93: {  	s3 =	sld [smem:$0x3FFC];
	_ =	sdelay $0x3  }
0x94: {  	_ =	strace s3  }
0x95: {  	s3 =	sld [smem:$0x3FFD];
	_ =	sdelay $0x3  }
0x96: {  	_ =	strace s3  }
0x97: {  	_ =	strace $0x8FFFFFFF  }
0x98: {  	s19 =	sld [smem:$0x3FDB];
	_ =	sdelay $0x1  }
0x99: {  	s4 =	simm.s32 $_scs_section_size  }
0x9a: {  	s5 =	simm.s32 $_size__tile_overlayer_lowered;
	s6 =	simm.s32 $_tile_overlayer_lowered  }
0x9b: {  	s22 =	simm.s32 $0x1BFF;
	s21 =	sshll.u32 s6, $0x1;
	s3 =	sadd.s32 s4, s19  }
0x9c: {  	s7 =	simm.s32 $0x0;
	s20 =	sshll.u32 s5, $0x1;
	s5 =	sadd.s32 s21, s3  }
0x9d: {  	[timem:s7], [sflag:s22] =	dma.local [hbm:s5], s20  }
0x9e: {  	_ =	swait.ge [sflag:s22], s20  }
0x9f: {  	s4 =	ssub.s32 $0x0, s20;
	[sflag:s22] =	ssyncset.done $0x0  }
0xa0: {  	[sflag:s22] =	ssyncadd.s32 s4;
	_ =	sdelay $0x1  }
0xa1: {  	s23 =	simm.s32 $0x1B8B  }
0xa2: {  	_ =	swait.ge [sflag:s23], $0x1  }
0xa3: {  	[sflag:s23] =	ssyncset.done $0x0  }
0xa4: {  	s25 =	simm.s32 $0x1B8E;
	s24 =	sld [smem:$0x3FFE];
	[sflag:s23] =	ssyncadd.s32 $0xFFFFFFFF  }
0xa5: {  	s26 =	simm.s32 $execute0_lowered;
	[smem:$0x3FD2] =	sst s25  }
0xa6: {  	s5 =	sshll.u32 s26, $0x1;
	_ =	strace $0x80000046;
	[dreg:$0x1] =	wrdreg $0xFFFFFFFF  }
0xa7: {  	s28 =	simm.s32 $_size_execute0_lowered;
	s3 =	sadd.s32 s3, s5;
	[dreg:$0x0] =	wrdreg $0x0  }
0xa8: {  	s5 =	sshll.u32 s28, $0x1;
	[dreg:$0x2] =	wrdreg s3  }
0xa9: {  	[dreg:$0x3] =	wrdreg s5  }
0xaa: {  	[dreg:$0x4] =	wrdreg $0xC0  }
0xab: {  	_ =	task [dreg:s7], $0x5FFFF  }
0xac: {  	[dreg:$0x1] =	wrdreg $0xFFFFFFFF  }
0xad: {  	[dreg:$0x0] =	wrdreg $0x60  }
0xae: {  	[dreg:$0x2] =	wrdreg s24  }
0xaf: {  	[dreg:$0x3] =	wrdreg s2  }
0xb0: {  	[dreg:$0x4] =	wrdreg $0x9  }
0xb1: {  	_ =	task.clear_ibuf [dreg:s7], $0x5FFFF;
	_ =	strace $0x90000046  }
0xb2: {  	s29 =	simm.s32 $0x9;
	_ =	strace $0x80000048  }
0xb3: {  	_ =	swait.ge [sflag:s29], $0x1  }
0xb4: {  	[sflag:s29] =	ssyncadd.s32 $0xFFFFFFFF  }
0xb5: {  	_ =	strace $0x90000048  }
0xb6: {  	_ =	sfence  }
0xb7: {  	s30 =	sld [smem:$0x0];
	_ =	sdelay $0x2  }
0xb8: {  	s31 =	sshll.u32 s1, $0xD;
	s1 =	sshrl.u32 s1, $0x2  }
0xb9: {  	s3 =	sand.u32 $0x4000, s31;
	s1 =	sadd.s32 s1, s30  }
0xba: {  	s0 =	sor.u32 s3, s0;
	s1 =	sshll.u32 s1, $0x11  }
0xbb: {  	s0 =	sor.u32 s1, s0  }
0xbc: {  	s0 =	sadd.s32 $0x8F2B, s0  }
0xbd: {  	[sflag:s0] =	ssyncadd.remote.s32 $0x1  }
0xbe: {  	_ =	sfence.sel $0xFFFF  }
0xbf: {  	[dreg:$0x0] =	wrdreg $0xFFFFFFFF;
	(pc) =	sbr.abs _section_cstart, $3  }
0xc0: {  	[dreg:$0x1] =	wrdreg $0xFFFFFFFF  }
0xc1: {  	_ =	task.clear_ibuf [dreg:s7], $0x2FFFF;
	_ =	strace $0x9FFFFFFF  }
0xc2: {  	(tm) =	ssettm $0x7FFFFFFF  }
0xc3: {  	_ =	shalt  }
tec
execute0_lowered:
.L_overlay_start_1:
0x0: {  	(tag) =	ssettag $0x1  }
0x1: {  	s0 =	rddreg [dreg:$0x0];
	s1 =	srdreg.scid  }
0x2: {  	s2 =	stileid.u32;
	s3 =	simm.s32 $0x0;
	s9 =	simm.s32 $0x2  }
0x3: {  	s10 =	simm.s32 $0x60;
	s12 =	simm.s32 $0x68;
	s8 =	simm.s32 $0xF380  }
0x4: {  	s11 =	simm.s32 $0x960;
	s13 =	simm.s32 $0xFA00;
	s14 =	simm.s32 $0x9C0  }
0x5: {  	s15 =	simm.s32 $0x10000;
	s16 =	simm.s32 $0xA28;
	s17 =	simm.s32 $0x10680  }
0x6: {  	s18 =	simm.s32 $0xA88;
	s19 =	simm.s32 $0x10C80;
	s20 =	simm.s32 $0xAF0  }
0x7: {  	s21 =	simm.s32 $0x11300;
	s22 =	simm.s32 $0xB50;
	s23 =	simm.s32 $0x11900  }
0x8: {  	s24 =	simm.s32 $0x1;
	s25 =	simm.s32 $0x12C00;
	s1 =	sand.u32 $0x1, s1  }
0x9: {  	s26 =	simm.s32 $0x0;
	s2 =	sshll.u32 s2, $0x8;
	s4 =	sshll.u32 s1, $0x7  }
0xa: {  	[smem:$0x7FF] =	sst s3;
	s1 =	ssub.s32 $0x2, s1;
	s2 =	sor.u32 s4, s2  }
0xb: {  	_ =	strace $0x80000047;
	s31 =	sshrl.u32 s1, $0x1;
	s5 =	smul.u32 $0x19, s2  }
0xc: {  	s4 =	sadd.s32 $0x19800, s0;
	s2 =	sshll.u32 s2, $0x1;
	s1 =	ssub.s32 s1, s31  }
0xd: {  	s7 =	smax.u32 s1, $0x1;
	s5 =	sadd.s32 s5, s0;
	s0 =	sadd.s32 s2, s0  }
0xe: {  	s2 =	simm.s32 $0x8F8;
	s5 =	sadd.s32 $0x800, s5;
	s6 =	sadd.s32 $0x201E00, s0  }
.LBB2_1:
0xf: {  	s0 =	rddreg [dreg:$0x1];
	s1 =	simm.s32 $0x13400  }
0x10: {  	[tilespmem:s1], [sflag:$0x2] =	stream.linear.gather [hbm4b:s0+s3], $0x10, $0x38;
	[tilespmem:$0x13410] =	vst v63  }
0x11: {  	_ =	swait.ge [sflag:s9], $0x10  }
0x12: {  	[sflag:s9] =	ssyncset.done $0x0  }
0x13: {  	[sflag:s9] =	ssyncadd.s32 $0xFFFFFFF0  }
0x14: {  	[tilespmem:s3], [sflag:$0x2] =	stream.linear.gather [hbm4b:s5+s3], $0x6400, $0x38;
	[tilespmem:$0x13410] =	vst v63  }
0x15: {  	_ =	swait.ge [sflag:s9], $0x6400  }
0x16: {  	[sflag:s9] =	ssyncset.done $0x0  }
0x17: {  	s31 =	simm.s32 $0x6400;
	[sflag:s9] =	ssyncadd.s32 $0xFFFF9C00  }
0x18: {  	[tilespmem:s31], [sflag:$0x1] =	stream.indirect.gather [hbm4b:s4+s10], $0x10, s3, s10, $0xb8;
	[tilespmem:$0x13410] =	vst v63  }
0x19: {  	s1 =	simm.s32 $0x6A00  }
0x1a: {  	[tilespmem:s1], [sflag:$0x1] =	stream.indirect.gather [hbm4b:s4+s12], $0x10, s10, s12, $0xb8;
	[tilespmem:$0x13410] =	vst v63  }
0x1b: {  	s30 =	simm.s32 $0xC8;
	s31 =	simm.s32 $0x7080  }
0x1c: {  	[tilespmem:s31], [sflag:$0x1] =	stream.indirect.gather [hbm4b:s4+s10], $0x10, s30, s10, $0xb8;
	[tilespmem:$0x13410] =	vst v63  }
0x1d: {  	s30 =	simm.s32 $0x128;
	s31 =	simm.s32 $0x7680  }
0x1e: {  	[tilespmem:s31], [sflag:$0x1] =	stream.indirect.gather [hbm4b:s4+s12], $0x10, s30, s12, $0xb8;
	[tilespmem:$0x13410] =	vst v63  }
0x1f: {  	s30 =	simm.s32 $0x190;
	s31 =	simm.s32 $0x7D00  }
0x20: {  	[tilespmem:s31], [sflag:$0x1] =	stream.indirect.gather [hbm4b:s4+s10], $0x10, s30, s10, $0xb8;
	[tilespmem:$0x13410] =	vst v63  }
0x21: {  	s30 =	simm.s32 $0x1F0;
	s31 =	simm.s32 $0x8300  }
0x22: {  	[tilespmem:s31], [sflag:$0x1] =	stream.indirect.gather [hbm4b:s4+s12], $0x10, s30, s12, $0xb8;
	[tilespmem:$0x13410] =	vst v63  }
0x23: {  	s30 =	simm.s32 $0x258;
	s31 =	simm.s32 $0x8980  }
0x24: {  	[tilespmem:s31], [sflag:$0x1] =	stream.indirect.gather [hbm4b:s4+s10], $0x10, s30, s10, $0xb8;
	[tilespmem:$0x13410] =	vst v63  }
0x25: {  	s30 =	simm.s32 $0x2B8;
	s31 =	simm.s32 $0x8F80  }
0x26: {  	[tilespmem:s31], [sflag:$0x1] =	stream.indirect.gather [hbm4b:s4+s12], $0x10, s30, s12, $0xb8;
	[tilespmem:$0x13410] =	vst v63  }
0x27: {  	s30 =	simm.s32 $0x320;
	s31 =	simm.s32 $0x9600  }
0x28: {  	[tilespmem:s31], [sflag:$0x1] =	stream.indirect.gather [hbm4b:s4+s10], $0x10, s30, s10, $0xb8;
	[tilespmem:$0x13410] =	vst v63  }
0x29: {  	s30 =	simm.s32 $0x380;
	s31 =	simm.s32 $0x9C00  }
0x2a: {  	[tilespmem:s31], [sflag:$0x1] =	stream.indirect.gather [hbm4b:s4+s12], $0x10, s30, s12, $0xb8;
	[tilespmem:$0x13410] =	vst v63  }
0x2b: {  	s30 =	simm.s32 $0x3E8;
	s31 =	simm.s32 $0xA280  }
0x2c: {  	[tilespmem:s31], [sflag:$0x1] =	stream.indirect.gather [hbm4b:s4+s10], $0x10, s30, s10, $0xb8;
	[tilespmem:$0x13410] =	vst v63  }
0x2d: {  	s30 =	simm.s32 $0x448;
	s31 =	simm.s32 $0xA880  }
0x2e: {  	[tilespmem:s31], [sflag:$0x1] =	stream.indirect.gather [hbm4b:s4+s12], $0x10, s30, s12, $0xb8;
	[tilespmem:$0x13410] =	vst v63  }
0x2f: {  	s30 =	simm.s32 $0x4B0;
	s31 =	simm.s32 $0xAF00  }
0x30: {  	[tilespmem:s31], [sflag:$0x1] =	stream.indirect.gather [hbm4b:s4+s10], $0x10, s30, s10, $0xb8;
	[tilespmem:$0x13410] =	vst v63  }
0x31: {  	s30 =	simm.s32 $0x510;
	s31 =	simm.s32 $0xB500  }
0x32: {  	[tilespmem:s31], [sflag:$0x1] =	stream.indirect.gather [hbm4b:s4+s12], $0x10, s30, s12, $0xb8;
	[tilespmem:$0x13410] =	vst v63  }
0x33: {  	s30 =	simm.s32 $0x578;
	s31 =	simm.s32 $0xBB80  }
0x34: {  	[tilespmem:s31], [sflag:$0x1] =	stream.indirect.gather [hbm4b:s4+s10], $0x10, s30, s10, $0xb8;
	[tilespmem:$0x13410] =	vst v63  }
0x35: {  	s30 =	simm.s32 $0x5D8;
	s31 =	simm.s32 $0xC180  }
0x36: {  	[tilespmem:s31], [sflag:$0x1] =	stream.indirect.gather [hbm4b:s4+s12], $0x10, s30, s12, $0xb8;
	[tilespmem:$0x13410] =	vst v63  }
0x37: {  	s30 =	simm.s32 $0x640;
	s31 =	simm.s32 $0xC800  }
0x38: {  	[tilespmem:s31], [sflag:$0x1] =	stream.indirect.gather [hbm4b:s4+s10], $0x10, s30, s10, $0xb8;
	[tilespmem:$0x13410] =	vst v63  }
0x39: {  	s30 =	simm.s32 $0x6A0;
	s31 =	simm.s32 $0xCE00  }
0x3a: {  	[tilespmem:s31], [sflag:$0x1] =	stream.indirect.gather [hbm4b:s4+s12], $0x10, s30, s12, $0xb8;
	[tilespmem:$0x13410] =	vst v63  }
0x3b: {  	s30 =	simm.s32 $0x708;
	s31 =	simm.s32 $0xD480  }
0x3c: {  	[tilespmem:s31], [sflag:$0x1] =	stream.indirect.gather [hbm4b:s4+s10], $0x10, s30, s10, $0xb8;
	[tilespmem:$0x13410] =	vst v63  }
0x3d: {  	s30 =	simm.s32 $0x768;
	s31 =	simm.s32 $0xDA80  }
0x3e: {  	[tilespmem:s31], [sflag:$0x1] =	stream.indirect.gather [hbm4b:s4+s12], $0x10, s30, s12, $0xb8;
	[tilespmem:$0x13410] =	vst v63  }
0x3f: {  	s30 =	simm.s32 $0x7D0;
	s31 =	simm.s32 $0xE100  }
0x40: {  	[tilespmem:s31], [sflag:$0x1] =	stream.indirect.gather [hbm4b:s4+s10], $0x10, s30, s10, $0xb8;
	[tilespmem:$0x13410] =	vst v63  }
0x41: {  	s30 =	simm.s32 $0x830;
	s31 =	simm.s32 $0xE700  }
0x42: {  	[tilespmem:s31], [sflag:$0x1] =	stream.indirect.gather [hbm4b:s4+s12], $0x10, s30, s12, $0xb8;
	[tilespmem:$0x13410] =	vst v63  }
0x43: {  	s30 =	simm.s32 $0x898;
	s31 =	simm.s32 $0xED80  }
0x44: {  	[tilespmem:s31], [sflag:$0x1] =	stream.indirect.gather [hbm4b:s4+s10], $0x10, s30, s10, $0xb8;
	[tilespmem:$0x13410] =	vst v63  }
0x45: {  	_ = 	snop  }
0x46: {  	[tilespmem:s8], [sflag:$0x1] =	stream.indirect.gather [hbm4b:s4+s12], $0x10, s2, s12, $0xb8;
	[tilespmem:$0x13410] =	vst v63  }
0x47: {  	_ = 	snop  }
0x48: {  	[tilespmem:s13], [sflag:$0x1] =	stream.indirect.gather [hbm4b:s4+s10], $0x10, s11, s10, $0xb8;
	[tilespmem:$0x13410] =	vst v63  }
0x49: {  	_ = 	snop  }
0x4a: {  	[tilespmem:s15], [sflag:$0x1] =	stream.indirect.gather [hbm4b:s4+s12], $0x10, s14, s12, $0xb8;
	[tilespmem:$0x13410] =	vst v63  }
0x4b: {  	_ = 	snop  }
0x4c: {  	[tilespmem:s17], [sflag:$0x1] =	stream.indirect.gather [hbm4b:s4+s10], $0x10, s16, s10, $0xb8;
	[tilespmem:$0x13410] =	vst v63  }
0x4d: {  	_ = 	snop  }
0x4e: {  	[tilespmem:s19], [sflag:$0x1] =	stream.indirect.gather [hbm4b:s4+s12], $0x10, s18, s12, $0xb8;
	[tilespmem:$0x13410] =	vst v63  }
0x4f: {  	_ = 	snop  }
0x50: {  	[tilespmem:s21], [sflag:$0x1] =	stream.indirect.gather [hbm4b:s4+s10], $0x10, s20, s10, $0xb8;
	[tilespmem:$0x13410] =	vst v63  }
0x51: {  	s28 =	simm.s32 $0x0;
	s29 =	simm.s32 $0x0  }
0x52: {  	[tilespmem:s23], [sflag:$0x1] =	stream.indirect.gather [hbm4b:s4+s12], $0x10, s22, s12, $0xb8;
	[tilespmem:$0x13410] =	vst v63  }
.LBB2_2:
0x53: {  	p0 =	sgt.u32 s29, $0x70  }
0x54: {  	s30 =	sadd.s32 @!p0 $0xF, s29  }
0x55: {  	s31 =	sand.u32 @!p0 $0xF, s30  }
0x56: {  	s31 =	smul.u32 @!p0 $0x3200, s31  }
0x57: {  	s30 =	smul.u32 @!p0 $0x320, s30  }
0x58: {  	s31 =	sshrl.u32 @!p0 s31, $0x2  }
0x59: {  	s1 =	simm.s32 @!p0 $0x60;
	s30 =	sshra.s32 @!p0 s30, $0x2;
	s0 =	sadd.s32 @!p0 $0x6400, s31  }
0x5a: {  	[tilespmem:s0], [sflag:$0x1] =	stream.indirect.gather @!p0 [hbm4b:s4+s1], $0x10, s30, s1, $0xb8;
	[tilespmem:$0x13410] =	vst v63  }
0x5b: {  	s0 =	sadd.s32 @!p0 $0x6A00, s31;
	s1 =	sadd.s32 @!p0 $0x60, s30;
	s30 =	simm.s32 @!p0 $0x68  }
0x5c: {  	[tilespmem:s0], [sflag:$0x1] =	stream.indirect.gather @!p0 [hbm4b:s4+s30], $0x10, s1, s30, $0xb8;
	[tilespmem:$0x13410] =	vst v63  }
0x5d: {  	_ =	swait.ge [sflag:s24], $0x600  }
0x5e: {  	[sflag:s24] =	ssyncset.done $0x0  }
0x5f: {  	s1 =	sand.u32 $0xF, s28;
	[sflag:s24] =	ssyncadd.s32 $0xFFFFFA00  }
0x60: {  	s0 =	smul.u32 $0x3200, s1;
	_ =	swait.ge [sflag:s24], $0x680  }
0x61: {  	[sflag:s24] =	ssyncset.done $0x0  }
0x62: {  	s0 =	sshrl.u32 s0, $0x2;
	[sflag:s24] =	ssyncadd.s32 $0xFFFFF980  }
0x63: {  	s0 =	sadd.s32 $0x6440, s0;
	v0 =	vld [tilespmem:$0x13400]  }
0x64: {  	v1 =	vld [tilespmem:s0+$0xFFFFFFC0];
	_ =	sdelay $0x1  }
0x65: {  	v2 =	vld [tilespmem:s0+$0xFFFFFFD0];
	_ =	sdelay $0x1  }
0x66: {  	v3 =	vld [tilespmem:s0+$0xFFFFFFE0]  }
0x67: {  	v0 =	vadd.f32 v1, v0  }
0x68: {  	v1 =	vld [tilespmem:s0+$0xFFFFFFF0]  }
0x69: {  	v0 =	vadd.f32 v2, v0  }
0x6a: {  	v2 =	vld [tilespmem:s0+$0x0]  }
0x6b: {  	v0 =	vadd.f32 v3, v0;
	_ =	sdelay $0x1  }
0x6c: {  	v3 =	vld [tilespmem:s0+$0x10];
	v0 =	vadd.f32 v1, v0;
	_ =	sdelay $0x1  }
0x6d: {  	v2 =	vadd.f32 v2, v0;
	v0 =	vld [tilespmem:s0+$0x20];
	_ =	sdelay $0x1  }
0x6e: {  	v1 =	vld [tilespmem:s0+$0x30]  }
0x6f: {  	s30 =	simm.s32 $0x0;
	s31 =	sadd.s32 $0x80, s0;
	v2 =	vadd.f32 v3, v2  }
.LBB2_3:
0x70: {  	v3 =	vld [tilespmem:s31+$0xFFFFFFC0];
	s30 =	sadd.s32 $0x8, s30  }
0x71: {  	p0 =	slt.u32 s30, $0xC0;
	v0 =	vadd.f32 v0, v2  }
0x72: {  	v2 =	vld [tilespmem:s31+$0xFFFFFFD0]  }
0x73: {  	v0 =	vadd.f32 v1, v0  }
0x74: {  	v1 =	vld [tilespmem:s31+$0xFFFFFFE0]  }
0x75: {  	v0 =	vadd.f32 v3, v0  }
0x76: {  	v3 =	vld [tilespmem:s31+$0xFFFFFFF0]  }
0x77: {  	v0 =	vadd.f32 v2, v0  }
0x78: {  	v2 =	vld [tilespmem:s31+$0x0]  }
0x79: {  	v0 =	vadd.f32 v1, v0  }
0x7a: {  	v4 =	vld [tilespmem:s31+$0x10]  }
.Ltmp0:
0x7b: {  	v1 =	vadd.f32 v3, v0;
	(pc) =	sbr.rel @p0 .LBB2_3-.Ltmp0, $4  }
0x7c: {  	v0 =	vld [tilespmem:s31+$0x20]  }
0x7d: {  	v2 =	vadd.f32 v2, v1  }
0x7e: {  	v1 =	vld [tilespmem:s31+$0x30]  }
0x7f: {  	s31 =	sadd.s32 $0x80, s31;
	v2 =	vadd.f32 v4, v2  }
0x80: {  	s0 =	sshll.u32 s29, $0x4;
	s29 =	sadd.s32 $0x1, s29  }
0x81: {  	p0 =	sne.s32 s29, $0x80  }
.Ltmp1:
0x82: {  	v0 =	vadd.f32 v0, v2;
	(pc) =	sbr.rel @p0 .LBB2_2-.Ltmp1, $4  }
0x83: {  	_ = 	snop  }
0x84: {  	v0 =	vadd.f32 v1, v0  }
0x85: {  	s0 =	sand.u32 $0x3FFFFFF0, s0  }
0x86: {  	s28 =	sadd.s32 $0x1, s28;
	[tilespmem:s0+$0x12C00] =	vst v0  }
0x87: {  	s26 =	sadd.s32 $0x1, s26  }
0x88: {  	p0 =	sne.s32 s26, s7  }
.Ltmp2:
0x89: {  	_ = 	snop;
	(pc) =	sbr.rel @p0 .LBB2_1-.Ltmp2, $4  }
0x8a: {  	[hbm4b:s6+s3] =	stream.linear.scatter [tilespmem:s25], [sflag:$0x2], $0x800, $0x38;
	[tilespmem:$0x13410] =	vst v63  }
0x8b: {  	_ =	swait.ge [sflag:s9], $0x800  }
0x8c: {  	[sflag:s9] =	ssyncset.done $0x0  }
0x8d: {  	[sflag:s9] =	ssyncadd.s32 $0xFFFFF800  }
0x8e: {  	_ =	sfence.sel $0x180000  }
0x8f: {  	[bflag:$0x0] =	sbarrier.arrive $0xFFFF  }
0x90: {  	_ =	strace $0x90000047  }
0x91: {  	s0 =	stileid.u32;
	[bflag:$0x2] =	sbarrier.arrive $0xFFFF  }
0x92: {  	p0 =	sne.s32 s0, $0x0;
	s0 =	rddreg [dreg:$0x2]  }
0x93: {  	s0 =	sadd.s32 @!p0 $0x100000, s0  }
0x94: {  	[sflag:s0] =	ssyncadd.tile.s32 @!p0 $0x1;
	_ =	shalt  }
.Lfunc_end2:
_tile_overlayer_lowered:
.L_overlay_start_2:
0x95: {  	(tag) =	ssettag $0x2  }
0x96: {  	s0 =	rddreg [dreg:$0x0];
	s2 =	stileid.u32  }
0x97: {  	s1 =	rddreg [dreg:$0x1];
	p0 =	sne.s32 s2, $0x0  }
0x98: {  	s3 =	rddreg [dreg:$0x2];
	[bflag:$0x3] =	sbarrier.arrive $0xFFFF;
	s2 =	simm.s32 @!p0 $0x1C02  }
0x99: {  	[timem:s3], [sflag:s2] =	dma.local @!p0 [hbm:s0], s1  }
0x9a: {  	s0 =	simm.s32 @!p0 $0x2  }
0x9b: {  	_ =	swait.ge @!p0 [sflag:s0], s1  }
0x9c: {  	s1 =	ssub.s32 @!p0 $0x0, s1;
	[sflag:s0] =	ssyncset.done @!p0 $0x0  }
0x9d: {  	[sflag:s0] =	ssyncadd.s32 @!p0 s1  }
0x9e: {  	[bflag:$0x3] =	sbarrier.arrive $0xFFFF  }
0x9f: {  	_ =	shalt  }

</sc_bundles>
